<compile_context>
chip_gen: v7x
topology: tpu7x:2x2x1
jax: 0.10.2.dev20260603
libtpu: 0.0.44.dev20260713+nightly
codegen_flags: <defaults>
</compile_context>

<pallas_src>
import functools

import jax
import jax.numpy as jnp
from jax import lax
from jax.experimental import pallas as pl
from jax.experimental.pallas import tpu as pltpu
from jax.experimental.pallas import tpu_sc as plsc

N_NODES = 10000
N_PAD = 10240
D = 128
N_EDGES = 320000
NC = 2
NS = 16
NW = NC * NS
EDGES_PER_TILE = N_EDGES // NW
CHUNK = 80
STEPS = EDGES_PER_TILE // CHUNK
ROWS_PER_TILE = N_PAD // NS
ZB = 64


def _sc_aggregate(xp, src, dst, zeros, ones):
    mesh = plsc.VectorSubcoreMesh(core_axis_name="c", subcore_axis_name="s")

    @functools.partial(
        pl.kernel,
        out_type=(
            jax.ShapeDtypeStruct((NC * N_PAD, D), jnp.float32),
            jax.ShapeDtypeStruct((NC * N_PAD, D), jnp.float32),
        ),
        mesh=mesh,
        scratch_types=[
            pltpu.VMEM((CHUNK,), jnp.int32),
            pltpu.VMEM((CHUNK,), jnp.int32),
            pltpu.VMEM((CHUNK, D), jnp.float32),
            pltpu.VMEM((ZB, D), jnp.float32),
            pltpu.VMEM((ZB,), jnp.int32),
            pltpu.VMEM_SHARED((N_PAD, D), jnp.float32),
            pltpu.SemaphoreType.DMA,
        ],
    )
    def agg(x_hbm, src_hbm, dst_hbm, zero_hbm, ones_hbm, sum_out, cnt_out,
            srcv, dstv, rows, zbuf, idxv, acc_sh, sem):
        c = lax.axis_index("c")
        s = lax.axis_index("s")
        row0 = s * ROWS_PER_TILE
        tile_base = (c * NS + s) * EDGES_PER_TILE

        def fill_idx(base):
            for m in range(ZB // 16):
                idxv[pl.ds(16 * m, 16)] = lax.iota(jnp.int32, 16) + (
                    base + 16 * m)

        def zero_acc():
            @pl.loop(0, ROWS_PER_TILE // ZB)
            def zloop(k):
                fill_idx(row0 + k * ZB)
                pltpu.sync_copy(zbuf, acc_sh.at[idxv])

        def write_acc(out_ref):
            @pl.loop(0, ROWS_PER_TILE // ZB)
            def wloop(k):
                base = row0 + k * ZB
                fill_idx(base)
                pltpu.sync_copy(acc_sh.at[idxv], zbuf)
                pltpu.sync_copy(zbuf, out_ref.at[pl.ds(c * N_PAD + base, ZB)])

        pltpu.sync_copy(zero_hbm, zbuf)
        zero_acc()
        plsc.subcore_barrier()

        @pl.loop(0, STEPS)
        def step(j):
            base = tile_base + j * CHUNK
            pltpu.sync_copy(src_hbm.at[pl.ds(base, CHUNK)], srcv)
            pltpu.sync_copy(dst_hbm.at[pl.ds(base, CHUNK)], dstv)
            pltpu.async_copy(x_hbm.at[srcv], rows, sem).wait()
            pltpu.sync_copy(rows, acc_sh.at[dstv], add=True)

        plsc.subcore_barrier()
        write_acc(sum_out)
        plsc.subcore_barrier()

        pltpu.sync_copy(zero_hbm, zbuf)
        zero_acc()
        pltpu.sync_copy(ones_hbm, rows)
        plsc.subcore_barrier()

        @pl.loop(0, STEPS)
        def cstep(j):
            base = tile_base + j * CHUNK
            pltpu.sync_copy(dst_hbm.at[pl.ds(base, CHUNK)], dstv)
            pltpu.sync_copy(rows, acc_sh.at[dstv], add=True)

        plsc.subcore_barrier()
        write_acc(cnt_out)

    return agg(xp, src, dst, zeros, ones)


def _tc_kernel(sum_ref, cnt_ref, x_ref, wl_ref, wr_ref, bl_ref, out_ref):
    tot = sum_ref[0] + sum_ref[1]
    cnt = cnt_ref[0, :, 0:1] + cnt_ref[1, :, 0:1]
    recip = 1.0 / jnp.maximum(cnt, 1.0)
    mean = tot * recip
    xb = x_ref[...]
    for i in range(2):
        y = (lax.dot_general(mean, wl_ref[i], (((1,), (1,)), ((), ())),
                             preferred_element_type=jnp.float32)
             + bl_ref[i][None, :]
             + lax.dot_general(xb, wr_ref[i], (((1,), (1,)), ((), ())),
                               preferred_element_type=jnp.float32))
        out_ref[:, i * D:(i + 1) * D] = jnp.where(y >= 0.0, y, 0.01 * y)


def _tc_combine(sums, cnts, xp, Wl, Wr, bl):
    blk = 1024
    grid = N_PAD // blk
    return pl.pallas_call(
        _tc_kernel,
        grid=(grid,),
        in_specs=[
            pl.BlockSpec((NC, blk, D), lambda i: (0, i, 0)),
            pl.BlockSpec((NC, blk, D), lambda i: (0, i, 0)),
            pl.BlockSpec((blk, D), lambda i: (i, 0)),
            pl.BlockSpec((NC, D, D), lambda i: (0, 0, 0)),
            pl.BlockSpec((NC, D, D), lambda i: (0, 0, 0)),
            pl.BlockSpec((NC, D), lambda i: (0, 0)),
        ],
        out_specs=pl.BlockSpec((blk, 2 * D), lambda i: (i, 0)),
        out_shape=jax.ShapeDtypeStruct((N_PAD, 2 * D), jnp.float32),
    )(sums, cnts, xp, Wl, Wr, bl)


@jax.jit
def kernel(x, edge_index, Wl, Wr, bl):
    src = edge_index[0].astype(jnp.int32)
    dst = edge_index[1].astype(jnp.int32)
    xp = jnp.pad(x, ((0, N_PAD - N_NODES), (0, 0)))
    zeros = jnp.zeros((ZB, D), jnp.float32)
    ones = jnp.ones((CHUNK, D), jnp.float32)
    sums, cnts = _sc_aggregate(xp, src, dst, zeros, ones)
    sums = sums.reshape(NC, N_PAD, D)
    cnts = cnts.reshape(NC, N_PAD, D)
    out = _tc_combine(sums, cnts, xp, Wl, Wr, bl)
    return out[:N_NODES]

# --- scband reference (transcript-rebuilt; emitter-appended) ---
"""Pipeline reference for scband-sgconv-24850680775444 (READ-ONLY COPY).

The authoritative reference and input builder live on the scoring server;
editing this copy changes nothing except your own understanding.
"""

import jax, jax.numpy as jnp
import numpy as np

SIZE = 2
IN_CH = 128
OUT_CH = 128
N_NODES = 10000
N_EDGES = 320000


def setup_inputs(seed: int = 0) -> dict:
    key = jax.random.key(seed)
    k1, k2, k3, k4, k5 = jax.random.split(key, 5)
    x = jax.random.normal(k1, (N_NODES, IN_CH), dtype=jnp.float32)
    edge_index = jax.random.randint(k2, (2, N_EDGES), 0, N_NODES).astype(jnp.int64)
    # SAGEConv params per conv: lin_l (with bias) applied to aggregated neighbors,
    # lin_r (no bias) applied to root features. Stacked over SIZE convs.
    scale = 1.0 / np.sqrt(IN_CH)
    Wl = jax.random.normal(k3, (SIZE, OUT_CH, IN_CH), dtype=jnp.float32) * scale
    Wr = jax.random.normal(k4, (SIZE, OUT_CH, IN_CH), dtype=jnp.float32) * scale
    bl = jnp.zeros((SIZE, OUT_CH), dtype=jnp.float32)
    return {"x": x, "edge_index": edge_index, "Wl": Wl, "Wr": Wr, "bl": bl}


def reference(x, edge_index, Wl, Wr, bl):
    src = edge_index[0]
    dst = edge_index[1]

    def sage_conv(xf, Wl_i, Wr_i, bl_i):
        # message: gather source node features along edges
        msgs = jnp.take(xf, src, axis=0)
        # mean aggregation at destination nodes (scatter-add + count)
        summed = jax.ops.segment_sum(msgs, dst, num_segments=N_NODES)
        cnt = jax.ops.segment_sum(jnp.ones((msgs.shape[0], 1), xf.dtype), dst, num_segments=N_NODES)
        mean = summed / jnp.maximum(cnt, 1.0)
        return mean @ Wl_i.T + bl_i + xf @ Wr_i.T

    feature_list = []
    for i in range(SIZE):
        feat = sage_conv(x, Wl[i], Wr[i], bl[i])
        feature_list.append(jax.nn.leaky_relu(feat, negative_slope=0.01))
    return jnp.concatenate(feature_list, axis=-1)

if __name__ == "__main__":
    import jax
    _d = setup_inputs()
    print(jax.jit(kernel)(*tuple(_d.values())))

</pallas_src>

<mosaic_0001>
#map = affine_map<(d0, d1) -> (0, 0)>
#map1 = affine_map<(d0, d1) -> (0)>
module attributes {stable_mosaic.version = 14 : i64} {
  func.func @agg(%arg0: i32, %arg1: i32, %arg2: memref<10240x128xf32, #tpu.memory_space<hbm>>, %arg3: memref<320000xi32, #tpu.memory_space<hbm>>, %arg4: memref<320000xi32, #tpu.memory_space<hbm>>, %arg5: memref<64x128xf32, #tpu.memory_space<hbm>>, %arg6: memref<80x128xf32, #tpu.memory_space<hbm>>, %arg7: memref<20480x128xf32, #tpu.memory_space<hbm>>, %arg8: memref<20480x128xf32, #tpu.memory_space<hbm>>, %arg9: memref<80xi32, #tpu.memory_space<vmem>>, %arg10: memref<80xi32, #tpu.memory_space<vmem>>, %arg11: memref<80x128xf32, #tpu.memory_space<vmem>>, %arg12: memref<64x128xf32, #tpu.memory_space<vmem>>, %arg13: memref<64xi32, #tpu.memory_space<vmem>>, %arg14: memref<10240x128xf32, #tpu.memory_space<vmem_shared>>, %arg15: memref<!tpu.dma_semaphore, #tpu.memory_space<semaphore_mem>>) attributes {dimension_semantics = [#tpu.dimension_semantics<core_parallel>, #tpu.dimension_semantics<subcore_parallel>], iteration_bounds = array<i64: 2, 16>, scalar_prefetch = 0 : i64, scratch_operands = 7 : i64, tpu.core_type = #tpu.core_type<sc_vector_subcore>, window_params = [{transform_indices = #map}, {transform_indices = #map1}, {transform_indices = #map1}, {transform_indices = #map}, {transform_indices = #map}, {transform_indices = #map}, {transform_indices = #map}]} {
    %mul3A = arith.constant 640 : i32
    %mul3A_0 = arith.muli %arg1, %mul3A : i32
    %mul3A_1 = arith.constant 16 : i32
    %mul3A_2 = arith.muli %arg0, %mul3A_1 : i32
    %add3A = arith.addi %mul3A_2, %arg1 : i32
    %mul3A_3 = arith.constant 10000 : i32
    %mul3A_4 = arith.muli %add3A, %mul3A_3 : i32
    "tpu.region"() ({
      %run_scoped3A = tpu.sem_alloc : memref<!tpu.dma_semaphore, #tpu.memory_space<semaphore_mem>>
      tpu.enqueue_dma source(%arg5 : memref<64x128xf32, #tpu.memory_space<hbm>>) target(%arg12 : memref<64x128xf32, #tpu.memory_space<vmem>>) target_semaphore(%run_scoped3A : memref<!tpu.dma_semaphore, #tpu.memory_space<semaphore_mem>>)
      tpu.wait_dma2 semaphore(%run_scoped3A : memref<!tpu.dma_semaphore, #tpu.memory_space<semaphore_mem>>) src(%arg5 : memref<64x128xf32, #tpu.memory_space<hbm>>) dst(%arg12 : memref<64x128xf32, #tpu.memory_space<vmem>>)
      tpu.yield
    }) : () -> ()
    %scan3A = arith.constant 0 : i32
    %scan3A_5 = arith.constant 10 : i32
    %scan3A_6 = arith.addi %scan3A, %scan3A_5 : i32
    %scan3A_7 = arith.constant 1 : i32
    scf.for %scan3A_38 = %scan3A to %scan3A_6 step %scan3A_7  : i32 {
      %mul3A_39 = arith.constant 1 : i32
      %mul3A_40 = arith.muli %scan3A_38, %mul3A_39 : i32
      %add3A_41 = arith.constant 0 : i32
      %add3A_42 = arith.addi %add3A_41, %mul3A_40 : i32
      %mul3A_43 = arith.constant 64 : i32
      %mul3A_44 = arith.muli %add3A_42, %mul3A_43 : i32
      %add3A_45 = arith.addi %mul3A_0, %mul3A_44 : i32
      %iota3A = tpu.iota {dimensions = array<i32: 0>} : vector<16xi32>
      %add3A_46 = arith.constant 0 : i32
      %add3A_47 = arith.addi %add3A_45, %add3A_46 : i32
      %add3A_48 = vector.broadcast %add3A_47 : i32 to vector<16xi32>
      %add3A_49 = arith.addi %iota3A, %add3A_48 : vector<16xi32>
      %swap3A = arith.constant 0 : index
      %swap3A_50 = tpu.vector_load %arg13[%swap3A] {strides = array<i32>} : memref<64xi32, #tpu.memory_space<vmem>>, vector<16xi32>,
      %swap3A_51 = vector.shape_cast %swap3A_50 : vector<16xi32> to vector<16xi32>
      %swap3A_52 = vector.shape_cast %add3A_49 : vector<16xi32> to vector<16xi32>
      tpu.vector_store %arg13[%swap3A], %swap3A_52 {strides = array<i32>} : memref<64xi32, #tpu.memory_space<vmem>>, vector<16xi32>,
      %iota3A_53 = tpu.iota {dimensions = array<i32: 0>} : vector<16xi32>
      %add3A_54 = arith.constant 16 : i32
      %add3A_55 = arith.addi %add3A_45, %add3A_54 : i32
      %add3A_56 = vector.broadcast %add3A_55 : i32 to vector<16xi32>
      %add3A_57 = arith.addi %iota3A_53, %add3A_56 : vector<16xi32>
      %swap3A_58 = arith.constant 16 : index
      %swap3A_59 = tpu.vector_load %arg13[%swap3A_58] {strides = array<i32>} : memref<64xi32, #tpu.memory_space<vmem>>, vector<16xi32>,
      %swap3A_60 = vector.shape_cast %swap3A_59 : vector<16xi32> to vector<16xi32>
      %swap3A_61 = vector.shape_cast %add3A_57 : vector<16xi32> to vector<16xi32>
      tpu.vector_store %arg13[%swap3A_58], %swap3A_61 {strides = array<i32>} : memref<64xi32, #tpu.memory_space<vmem>>, vector<16xi32>,
      %iota3A_62 = tpu.iota {dimensions = array<i32: 0>} : vector<16xi32>
      %add3A_63 = arith.constant 32 : i32
      %add3A_64 = arith.addi %add3A_45, %add3A_63 : i32
      %add3A_65 = vector.broadcast %add3A_64 : i32 to vector<16xi32>
      %add3A_66 = arith.addi %iota3A_62, %add3A_65 : vector<16xi32>
      %swap3A_67 = arith.constant 32 : index
      %swap3A_68 = tpu.vector_load %arg13[%swap3A_67] {strides = array<i32>} : memref<64xi32, #tpu.memory_space<vmem>>, vector<16xi32>,
      %swap3A_69 = vector.shape_cast %swap3A_68 : vector<16xi32> to vector<16xi32>
      %swap3A_70 = vector.shape_cast %add3A_66 : vector<16xi32> to vector<16xi32>
      tpu.vector_store %arg13[%swap3A_67], %swap3A_70 {strides = array<i32>} : memref<64xi32, #tpu.memory_space<vmem>>, vector<16xi32>,
      %iota3A_71 = tpu.iota {dimensions = array<i32: 0>} : vector<16xi32>
      %add3A_72 = arith.constant 48 : i32
      %add3A_73 = arith.addi %add3A_45, %add3A_72 : i32
      %add3A_74 = vector.broadcast %add3A_73 : i32 to vector<16xi32>
      %add3A_75 = arith.addi %iota3A_71, %add3A_74 : vector<16xi32>
      %swap3A_76 = arith.constant 48 : index
      %swap3A_77 = tpu.vector_load %arg13[%swap3A_76] {strides = array<i32>} : memref<64xi32, #tpu.memory_space<vmem>>, vector<16xi32>,
      %swap3A_78 = vector.shape_cast %swap3A_77 : vector<16xi32> to vector<16xi32>
      %swap3A_79 = vector.shape_cast %add3A_75 : vector<16xi32> to vector<16xi32>
      tpu.vector_store %arg13[%swap3A_76], %swap3A_79 {strides = array<i32>} : memref<64xi32, #tpu.memory_space<vmem>>, vector<16xi32>,
      "tpu.region"() ({
        %run_scoped3A = tpu.sem_alloc : memref<!tpu.dma_semaphore, #tpu.memory_space<semaphore_mem>>
        %dma_start3A = arith.constant 0 : i32
        %dma_start3A_80 = arith.constant 0 : i32
        %dma_start3A_81 = tpu.memref_slice %arg14[%dma_start3A, %dma_start3A_80] : memref<10240x128xf32, #tpu.memory_space<vmem_shared>> -> memref<10240x128xf32, #tpu.memory_space<vmem_shared>>
        tpu.enqueue_indirect_dma source(%arg12 : memref<64x128xf32, #tpu.memory_space<vmem>>) target(%dma_start3A_81 : memref<10240x128xf32, #tpu.memory_space<vmem_shared>>) offsets(%arg13 : memref<64xi32, #tpu.memory_space<vmem>>) semaphore(%run_scoped3A : memref<!tpu.dma_semaphore, #tpu.memory_space<semaphore_mem>>)
        %dma_wait3A = arith.constant 0 : i32
        %dma_wait3A_82 = arith.constant 0 : i32
        %dma_wait3A_83 = tpu.memref_slice %arg14[%dma_wait3A, %dma_wait3A_82] : memref<10240x128xf32, #tpu.memory_space<vmem_shared>> -> memref<10240x128xf32, #tpu.memory_space<vmem_shared>>
        tpu.wait_indirect_dma semaphore(%run_scoped3A : memref<!tpu.dma_semaphore, #tpu.memory_space<semaphore_mem>>) src(%arg12 : memref<64x128xf32, #tpu.memory_space<vmem>>) dst(%dma_wait3A_83 : memref<10240x128xf32, #tpu.memory_space<vmem_shared>>)
        tpu.yield
      }) : () -> ()
    }
    %scan3A_8 = arith.constant 10 : i32
    %barrier3A = arith.constant 0 : index
    tpu.barrier barrier_id(%barrier3A)
    %scan3A_9 = arith.constant 0 : i32
    %scan3A_10 = arith.constant 125 : i32
    %scan3A_11 = arith.addi %scan3A_9, %scan3A_10 : i32
    %scan3A_12 = arith.constant 1 : i32
    scf.for %scan3A_38 = %scan3A_9 to %scan3A_11 step %scan3A_12  : i32 {
      %mul3A_39 = arith.constant 1 : i32
      %mul3A_40 = arith.muli %scan3A_38, %mul3A_39 : i32
      %add3A_41 = arith.constant 0 : i32
      %add3A_42 = arith.addi %add3A_41, %mul3A_40 : i32
      %mul3A_43 = arith.constant 80 : i32
      %mul3A_44 = arith.muli %add3A_42, %mul3A_43 : i32
      %add3A_45 = arith.addi %mul3A_4, %mul3A_44 : i32
      "tpu.region"() ({
        %run_scoped3A = tpu.sem_alloc : memref<!tpu.dma_semaphore, #tpu.memory_space<semaphore_mem>>
        %dma_start3A_50 = tpu.memref_slice %arg3[%add3A_45] : memref<320000xi32, #tpu.memory_space<hbm>> -> memref<80xi32, #tpu.memory_space<hbm>>
        %dma_start3A_51 = tpu.memref_slice %arg3[%add3A_45] : memref<320000xi32, #tpu.memory_space<hbm>> -> memref<80xi32, #tpu.memory_space<hbm>>
        tpu.enqueue_dma source(%dma_start3A_51 : memref<80xi32, #tpu.memory_space<hbm>>) target(%arg9 : memref<80xi32, #tpu.memory_space<vmem>>) target_semaphore(%run_scoped3A : memref<!tpu.dma_semaphore, #tpu.memory_space<semaphore_mem>>)
        %dma_wait3A_52 = tpu.memref_slice %arg3[%add3A_45] : memref<320000xi32, #tpu.memory_space<hbm>> -> memref<80xi32, #tpu.memory_space<hbm>>
        %dma_wait3A_53 = tpu.memref_slice %arg3[%add3A_45] : memref<320000xi32, #tpu.memory_space<hbm>> -> memref<80xi32, #tpu.memory_space<hbm>>
        tpu.wait_dma2 semaphore(%run_scoped3A : memref<!tpu.dma_semaphore, #tpu.memory_space<semaphore_mem>>) src(%dma_wait3A_53 : memref<80xi32, #tpu.memory_space<hbm>>) dst(%arg9 : memref<80xi32, #tpu.memory_space<vmem>>)
        tpu.yield
      }) : () -> ()
      "tpu.region"() ({
        %run_scoped3A = tpu.sem_alloc : memref<!tpu.dma_semaphore, #tpu.memory_space<semaphore_mem>>
        %dma_start3A_50 = tpu.memref_slice %arg4[%add3A_45] : memref<320000xi32, #tpu.memory_space<hbm>> -> memref<80xi32, #tpu.memory_space<hbm>>
        %dma_start3A_51 = tpu.memref_slice %arg4[%add3A_45] : memref<320000xi32, #tpu.memory_space<hbm>> -> memref<80xi32, #tpu.memory_space<hbm>>
        tpu.enqueue_dma source(%dma_start3A_51 : memref<80xi32, #tpu.memory_space<hbm>>) target(%arg10 : memref<80xi32, #tpu.memory_space<vmem>>) target_semaphore(%run_scoped3A : memref<!tpu.dma_semaphore, #tpu.memory_space<semaphore_mem>>)
        %dma_wait3A_52 = tpu.memref_slice %arg4[%add3A_45] : memref<320000xi32, #tpu.memory_space<hbm>> -> memref<80xi32, #tpu.memory_space<hbm>>
        %dma_wait3A_53 = tpu.memref_slice %arg4[%add3A_45] : memref<320000xi32, #tpu.memory_space<hbm>> -> memref<80xi32, #tpu.memory_space<hbm>>
        tpu.wait_dma2 semaphore(%run_scoped3A : memref<!tpu.dma_semaphore, #tpu.memory_space<semaphore_mem>>) src(%dma_wait3A_53 : memref<80xi32, #tpu.memory_space<hbm>>) dst(%arg10 : memref<80xi32, #tpu.memory_space<vmem>>)
        tpu.yield
      }) : () -> ()
      %dma_start3A = arith.constant 0 : i32
      %dma_start3A_46 = arith.constant 0 : i32
      %dma_start3A_47 = tpu.memref_slice %arg2[%dma_start3A, %dma_start3A_46] : memref<10240x128xf32, #tpu.memory_space<hbm>> -> memref<10240x128xf32, #tpu.memory_space<hbm>>
      tpu.enqueue_indirect_dma source(%dma_start3A_47 : memref<10240x128xf32, #tpu.memory_space<hbm>>) target(%arg11 : memref<80x128xf32, #tpu.memory_space<vmem>>) offsets(%arg9 : memref<80xi32, #tpu.memory_space<vmem>>) semaphore(%arg15 : memref<!tpu.dma_semaphore, #tpu.memory_space<semaphore_mem>>)
      %dma_wait3A = arith.constant 0 : i32
      %dma_wait3A_48 = arith.constant 0 : i32
      %dma_wait3A_49 = tpu.memref_slice %arg2[%dma_wait3A, %dma_wait3A_48] : memref<10240x128xf32, #tpu.memory_space<hbm>> -> memref<10240x128xf32, #tpu.memory_space<hbm>>
      tpu.wait_indirect_dma semaphore(%arg15 : memref<!tpu.dma_semaphore, #tpu.memory_space<semaphore_mem>>) src(%dma_wait3A_49 : memref<10240x128xf32, #tpu.memory_space<hbm>>) dst(%arg11 : memref<80x128xf32, #tpu.memory_space<vmem>>)
      "tpu.region"() ({
        %run_scoped3A = tpu.sem_alloc : memref<!tpu.dma_semaphore, #tpu.memory_space<semaphore_mem>>
        %dma_start3A_50 = arith.constant 0 : i32
        %dma_start3A_51 = arith.constant 0 : i32
        %dma_start3A_52 = tpu.memref_slice %arg14[%dma_start3A_50, %dma_start3A_51] : memref<10240x128xf32, #tpu.memory_space<vmem_shared>> -> memref<10240x128xf32, #tpu.memory_space<vmem_shared>>
        tpu.enqueue_indirect_dma source(%arg11 : memref<80x128xf32, #tpu.memory_space<vmem>>) target(%dma_start3A_52 : memref<10240x128xf32, #tpu.memory_space<vmem_shared>>) offsets(%arg10 : memref<80xi32, #tpu.memory_space<vmem>>) semaphore(%run_scoped3A : memref<!tpu.dma_semaphore, #tpu.memory_space<semaphore_mem>>) {add = true}
        %dma_wait3A_53 = arith.constant 0 : i32
        %dma_wait3A_54 = arith.constant 0 : i32
        %dma_wait3A_55 = tpu.memref_slice %arg14[%dma_wait3A_53, %dma_wait3A_54] : memref<10240x128xf32, #tpu.memory_space<vmem_shared>> -> memref<10240x128xf32, #tpu.memory_space<vmem_shared>>
        tpu.wait_indirect_dma semaphore(%run_scoped3A : memref<!tpu.dma_semaphore, #tpu.memory_space<semaphore_mem>>) src(%arg11 : memref<80x128xf32, #tpu.memory_space<vmem>>) dst(%dma_wait3A_55 : memref<10240x128xf32, #tpu.memory_space<vmem_shared>>)
        tpu.yield
      }) : () -> ()
    }
    %scan3A_13 = arith.constant 125 : i32
    %barrier3A_14 = arith.constant 0 : index
    tpu.barrier barrier_id(%barrier3A_14)
    %scan3A_15 = arith.constant 0 : i32
    %scan3A_16 = arith.constant 10 : i32
    %scan3A_17 = arith.addi %scan3A_15, %scan3A_16 : i32
    %scan3A_18 = arith.constant 1 : i32
    scf.for %scan3A_38 = %scan3A_15 to %scan3A_17 step %scan3A_18  : i32 {
      %mul3A_39 = arith.constant 1 : i32
      %mul3A_40 = arith.muli %scan3A_38, %mul3A_39 : i32
      %add3A_41 = arith.constant 0 : i32
      %add3A_42 = arith.addi %add3A_41, %mul3A_40 : i32
      %mul3A_43 = arith.constant 64 : i32
      %mul3A_44 = arith.muli %add3A_42, %mul3A_43 : i32
      %add3A_45 = arith.addi %mul3A_0, %mul3A_44 : i32
      %iota3A = tpu.iota {dimensions = array<i32: 0>} : vector<16xi32>
      %add3A_46 = arith.constant 0 : i32
      %add3A_47 = arith.addi %add3A_45, %add3A_46 : i32
      %add3A_48 = vector.broadcast %add3A_47 : i32 to vector<16xi32>
      %add3A_49 = arith.addi %iota3A, %add3A_48 : vector<16xi32>
      %swap3A = arith.constant 0 : index
      %swap3A_50 = tpu.vector_load %arg13[%swap3A] {strides = array<i32>} : memref<64xi32, #tpu.memory_space<vmem>>, vector<16xi32>,
      %swap3A_51 = vector.shape_cast %swap3A_50 : vector<16xi32> to vector<16xi32>
      %swap3A_52 = vector.shape_cast %add3A_49 : vector<16xi32> to vector<16xi32>
      tpu.vector_store %arg13[%swap3A], %swap3A_52 {strides = array<i32>} : memref<64xi32, #tpu.memory_space<vmem>>, vector<16xi32>,
      %iota3A_53 = tpu.iota {dimensions = array<i32: 0>} : vector<16xi32>
      %add3A_54 = arith.constant 16 : i32
      %add3A_55 = arith.addi %add3A_45, %add3A_54 : i32
      %add3A_56 = vector.broadcast %add3A_55 : i32 to vector<16xi32>
      %add3A_57 = arith.addi %iota3A_53, %add3A_56 : vector<16xi32>
      %swap3A_58 = arith.constant 16 : index
      %swap3A_59 = tpu.vector_load %arg13[%swap3A_58] {strides = array<i32>} : memref<64xi32, #tpu.memory_space<vmem>>, vector<16xi32>,
      %swap3A_60 = vector.shape_cast %swap3A_59 : vector<16xi32> to vector<16xi32>
      %swap3A_61 = vector.shape_cast %add3A_57 : vector<16xi32> to vector<16xi32>
      tpu.vector_store %arg13[%swap3A_58], %swap3A_61 {strides = array<i32>} : memref<64xi32, #tpu.memory_space<vmem>>, vector<16xi32>,
      %iota3A_62 = tpu.iota {dimensions = array<i32: 0>} : vector<16xi32>
      %add3A_63 = arith.constant 32 : i32
      %add3A_64 = arith.addi %add3A_45, %add3A_63 : i32
      %add3A_65 = vector.broadcast %add3A_64 : i32 to vector<16xi32>
      %add3A_66 = arith.addi %iota3A_62, %add3A_65 : vector<16xi32>
      %swap3A_67 = arith.constant 32 : index
      %swap3A_68 = tpu.vector_load %arg13[%swap3A_67] {strides = array<i32>} : memref<64xi32, #tpu.memory_space<vmem>>, vector<16xi32>,
      %swap3A_69 = vector.shape_cast %swap3A_68 : vector<16xi32> to vector<16xi32>
      %swap3A_70 = vector.shape_cast %add3A_66 : vector<16xi32> to vector<16xi32>
      tpu.vector_store %arg13[%swap3A_67], %swap3A_70 {strides = array<i32>} : memref<64xi32, #tpu.memory_space<vmem>>, vector<16xi32>,
      %iota3A_71 = tpu.iota {dimensions = array<i32: 0>} : vector<16xi32>
      %add3A_72 = arith.constant 48 : i32
      %add3A_73 = arith.addi %add3A_45, %add3A_72 : i32
      %add3A_74 = vector.broadcast %add3A_73 : i32 to vector<16xi32>
      %add3A_75 = arith.addi %iota3A_71, %add3A_74 : vector<16xi32>
      %swap3A_76 = arith.constant 48 : index
      %swap3A_77 = tpu.vector_load %arg13[%swap3A_76] {strides = array<i32>} : memref<64xi32, #tpu.memory_space<vmem>>, vector<16xi32>,
      %swap3A_78 = vector.shape_cast %swap3A_77 : vector<16xi32> to vector<16xi32>
      %swap3A_79 = vector.shape_cast %add3A_75 : vector<16xi32> to vector<16xi32>
      tpu.vector_store %arg13[%swap3A_76], %swap3A_79 {strides = array<i32>} : memref<64xi32, #tpu.memory_space<vmem>>, vector<16xi32>,
      "tpu.region"() ({
        %run_scoped3A = tpu.sem_alloc : memref<!tpu.dma_semaphore, #tpu.memory_space<semaphore_mem>>
        %dma_start3A = arith.constant 0 : i32
        %dma_start3A_83 = arith.constant 0 : i32
        %dma_start3A_84 = tpu.memref_slice %arg14[%dma_start3A, %dma_start3A_83] : memref<10240x128xf32, #tpu.memory_space<vmem_shared>> -> memref<10240x128xf32, #tpu.memory_space<vmem_shared>>
        tpu.enqueue_indirect_dma source(%dma_start3A_84 : memref<10240x128xf32, #tpu.memory_space<vmem_shared>>) target(%arg12 : memref<64x128xf32, #tpu.memory_space<vmem>>) offsets(%arg13 : memref<64xi32, #tpu.memory_space<vmem>>) semaphore(%run_scoped3A : memref<!tpu.dma_semaphore, #tpu.memory_space<semaphore_mem>>)
        %dma_wait3A = arith.constant 0 : i32
        %dma_wait3A_85 = arith.constant 0 : i32
        %dma_wait3A_86 = tpu.memref_slice %arg14[%dma_wait3A, %dma_wait3A_85] : memref<10240x128xf32, #tpu.memory_space<vmem_shared>> -> memref<10240x128xf32, #tpu.memory_space<vmem_shared>>
        tpu.wait_indirect_dma semaphore(%run_scoped3A : memref<!tpu.dma_semaphore, #tpu.memory_space<semaphore_mem>>) src(%dma_wait3A_86 : memref<10240x128xf32, #tpu.memory_space<vmem_shared>>) dst(%arg12 : memref<64x128xf32, #tpu.memory_space<vmem>>)
        tpu.yield
      }) : () -> ()
      %mul3A_80 = arith.constant 10240 : i32
      %mul3A_81 = arith.muli %arg0, %mul3A_80 : i32
      %add3A_82 = arith.addi %mul3A_81, %add3A_45 : i32
      "tpu.region"() ({
        %run_scoped3A = tpu.sem_alloc : memref<!tpu.dma_semaphore, #tpu.memory_space<semaphore_mem>>
        %dma_start3A = arith.constant 0 : i32
        %dma_start3A_83 = tpu.memref_slice %arg7[%add3A_82, %dma_start3A] : memref<20480x128xf32, #tpu.memory_space<hbm>> -> memref<64x128xf32, #tpu.memory_space<hbm>>
        %dma_start3A_84 = arith.constant 0 : i32
        %dma_start3A_85 = tpu.memref_slice %arg7[%add3A_82, %dma_start3A_84] : memref<20480x128xf32, #tpu.memory_space<hbm>> -> memref<64x128xf32, #tpu.memory_space<hbm>>
        tpu.enqueue_dma source(%arg12 : memref<64x128xf32, #tpu.memory_space<vmem>>) target(%dma_start3A_85 : memref<64x128xf32, #tpu.memory_space<hbm>>) target_semaphore(%run_scoped3A : memref<!tpu.dma_semaphore, #tpu.memory_space<semaphore_mem>>)
        %dma_wait3A = arith.constant 0 : i32
        %dma_wait3A_86 = tpu.memref_slice %arg7[%add3A_82, %dma_wait3A] : memref<20480x128xf32, #tpu.memory_space<hbm>> -> memref<64x128xf32, #tpu.memory_space<hbm>>
        %dma_wait3A_87 = arith.constant 0 : i32
        %dma_wait3A_88 = tpu.memref_slice %arg7[%add3A_82, %dma_wait3A_87] : memref<20480x128xf32, #tpu.memory_space<hbm>> -> memref<64x128xf32, #tpu.memory_space<hbm>>
        tpu.wait_dma2 semaphore(%run_scoped3A : memref<!tpu.dma_semaphore, #tpu.memory_space<semaphore_mem>>) src(%arg12 : memref<64x128xf32, #tpu.memory_space<vmem>>) dst(%dma_wait3A_88 : memref<64x128xf32, #tpu.memory_space<hbm>>)
        tpu.yield
      }) : () -> ()
    }
    %scan3A_19 = arith.constant 10 : i32
    %barrier3A_20 = arith.constant 0 : index
    tpu.barrier barrier_id(%barrier3A_20)
    "tpu.region"() ({
      %run_scoped3A = tpu.sem_alloc : memref<!tpu.dma_semaphore, #tpu.memory_space<semaphore_mem>>
      tpu.enqueue_dma source(%arg5 : memref<64x128xf32, #tpu.memory_space<hbm>>) target(%arg12 : memref<64x128xf32, #tpu.memory_space<vmem>>) target_semaphore(%run_scoped3A : memref<!tpu.dma_semaphore, #tpu.memory_space<semaphore_mem>>)
      tpu.wait_dma2 semaphore(%run_scoped3A : memref<!tpu.dma_semaphore, #tpu.memory_space<semaphore_mem>>) src(%arg5 : memref<64x128xf32, #tpu.memory_space<hbm>>) dst(%arg12 : memref<64x128xf32, #tpu.memory_space<vmem>>)
      tpu.yield
    }) : () -> ()
    %scan3A_21 = arith.constant 0 : i32
    %scan3A_22 = arith.constant 10 : i32
    %scan3A_23 = arith.addi %scan3A_21, %scan3A_22 : i32
    %scan3A_24 = arith.constant 1 : i32
    scf.for %scan3A_38 = %scan3A_21 to %scan3A_23 step %scan3A_24  : i32 {
      %mul3A_39 = arith.constant 1 : i32
      %mul3A_40 = arith.muli %scan3A_38, %mul3A_39 : i32
      %add3A_41 = arith.constant 0 : i32
      %add3A_42 = arith.addi %add3A_41, %mul3A_40 : i32
      %mul3A_43 = arith.constant 64 : i32
      %mul3A_44 = arith.muli %add3A_42, %mul3A_43 : i32
      %add3A_45 = arith.addi %mul3A_0, %mul3A_44 : i32
      %iota3A = tpu.iota {dimensions = array<i32: 0>} : vector<16xi32>
      %add3A_46 = arith.constant 0 : i32
      %add3A_47 = arith.addi %add3A_45, %add3A_46 : i32
      %add3A_48 = vector.broadcast %add3A_47 : i32 to vector<16xi32>
      %add3A_49 = arith.addi %iota3A, %add3A_48 : vector<16xi32>
      %swap3A = arith.constant 0 : index
      %swap3A_50 = tpu.vector_load %arg13[%swap3A] {strides = array<i32>} : memref<64xi32, #tpu.memory_space<vmem>>, vector<16xi32>,
      %swap3A_51 = vector.shape_cast %swap3A_50 : vector<16xi32> to vector<16xi32>
      %swap3A_52 = vector.shape_cast %add3A_49 : vector<16xi32> to vector<16xi32>
      tpu.vector_store %arg13[%swap3A], %swap3A_52 {strides = array<i32>} : memref<64xi32, #tpu.memory_space<vmem>>, vector<16xi32>,
      %iota3A_53 = tpu.iota {dimensions = array<i32: 0>} : vector<16xi32>
      %add3A_54 = arith.constant 16 : i32
      %add3A_55 = arith.addi %add3A_45, %add3A_54 : i32
      %add3A_56 = vector.broadcast %add3A_55 : i32 to vector<16xi32>
      %add3A_57 = arith.addi %iota3A_53, %add3A_56 : vector<16xi32>
      %swap3A_58 = arith.constant 16 : index
      %swap3A_59 = tpu.vector_load %arg13[%swap3A_58] {strides = array<i32>} : memref<64xi32, #tpu.memory_space<vmem>>, vector<16xi32>,
      %swap3A_60 = vector.shape_cast %swap3A_59 : vector<16xi32> to vector<16xi32>
      %swap3A_61 = vector.shape_cast %add3A_57 : vector<16xi32> to vector<16xi32>
      tpu.vector_store %arg13[%swap3A_58], %swap3A_61 {strides = array<i32>} : memref<64xi32, #tpu.memory_space<vmem>>, vector<16xi32>,
      %iota3A_62 = tpu.iota {dimensions = array<i32: 0>} : vector<16xi32>
      %add3A_63 = arith.constant 32 : i32
      %add3A_64 = arith.addi %add3A_45, %add3A_63 : i32
      %add3A_65 = vector.broadcast %add3A_64 : i32 to vector<16xi32>
      %add3A_66 = arith.addi %iota3A_62, %add3A_65 : vector<16xi32>
      %swap3A_67 = arith.constant 32 : index
      %swap3A_68 = tpu.vector_load %arg13[%swap3A_67] {strides = array<i32>} : memref<64xi32, #tpu.memory_space<vmem>>, vector<16xi32>,
      %swap3A_69 = vector.shape_cast %swap3A_68 : vector<16xi32> to vector<16xi32>
      %swap3A_70 = vector.shape_cast %add3A_66 : vector<16xi32> to vector<16xi32>
      tpu.vector_store %arg13[%swap3A_67], %swap3A_70 {strides = array<i32>} : memref<64xi32, #tpu.memory_space<vmem>>, vector<16xi32>,
      %iota3A_71 = tpu.iota {dimensions = array<i32: 0>} : vector<16xi32>
      %add3A_72 = arith.constant 48 : i32
      %add3A_73 = arith.addi %add3A_45, %add3A_72 : i32
      %add3A_74 = vector.broadcast %add3A_73 : i32 to vector<16xi32>
      %add3A_75 = arith.addi %iota3A_71, %add3A_74 : vector<16xi32>
      %swap3A_76 = arith.constant 48 : index
      %swap3A_77 = tpu.vector_load %arg13[%swap3A_76] {strides = array<i32>} : memref<64xi32, #tpu.memory_space<vmem>>, vector<16xi32>,
      %swap3A_78 = vector.shape_cast %swap3A_77 : vector<16xi32> to vector<16xi32>
      %swap3A_79 = vector.shape_cast %add3A_75 : vector<16xi32> to vector<16xi32>
      tpu.vector_store %arg13[%swap3A_76], %swap3A_79 {strides = array<i32>} : memref<64xi32, #tpu.memory_space<vmem>>, vector<16xi32>,
      "tpu.region"() ({
        %run_scoped3A = tpu.sem_alloc : memref<!tpu.dma_semaphore, #tpu.memory_space<semaphore_mem>>
        %dma_start3A = arith.constant 0 : i32
        %dma_start3A_80 = arith.constant 0 : i32
        %dma_start3A_81 = tpu.memref_slice %arg14[%dma_start3A, %dma_start3A_80] : memref<10240x128xf32, #tpu.memory_space<vmem_shared>> -> memref<10240x128xf32, #tpu.memory_space<vmem_shared>>
        tpu.enqueue_indirect_dma source(%arg12 : memref<64x128xf32, #tpu.memory_space<vmem>>) target(%dma_start3A_81 : memref<10240x128xf32, #tpu.memory_space<vmem_shared>>) offsets(%arg13 : memref<64xi32, #tpu.memory_space<vmem>>) semaphore(%run_scoped3A : memref<!tpu.dma_semaphore, #tpu.memory_space<semaphore_mem>>)
        %dma_wait3A = arith.constant 0 : i32
        %dma_wait3A_82 = arith.constant 0 : i32
        %dma_wait3A_83 = tpu.memref_slice %arg14[%dma_wait3A, %dma_wait3A_82] : memref<10240x128xf32, #tpu.memory_space<vmem_shared>> -> memref<10240x128xf32, #tpu.memory_space<vmem_shared>>
        tpu.wait_indirect_dma semaphore(%run_scoped3A : memref<!tpu.dma_semaphore, #tpu.memory_space<semaphore_mem>>) src(%arg12 : memref<64x128xf32, #tpu.memory_space<vmem>>) dst(%dma_wait3A_83 : memref<10240x128xf32, #tpu.memory_space<vmem_shared>>)
        tpu.yield
      }) : () -> ()
    }
    %scan3A_25 = arith.constant 10 : i32
    "tpu.region"() ({
      %run_scoped3A = tpu.sem_alloc : memref<!tpu.dma_semaphore, #tpu.memory_space<semaphore_mem>>
      tpu.enqueue_dma source(%arg6 : memref<80x128xf32, #tpu.memory_space<hbm>>) target(%arg11 : memref<80x128xf32, #tpu.memory_space<vmem>>) target_semaphore(%run_scoped3A : memref<!tpu.dma_semaphore, #tpu.memory_space<semaphore_mem>>)
      tpu.wait_dma2 semaphore(%run_scoped3A : memref<!tpu.dma_semaphore, #tpu.memory_space<semaphore_mem>>) src(%arg6 : memref<80x128xf32, #tpu.memory_space<hbm>>) dst(%arg11 : memref<80x128xf32, #tpu.memory_space<vmem>>)
      tpu.yield
    }) : () -> ()
    %barrier3A_26 = arith.constant 0 : index
    tpu.barrier barrier_id(%barrier3A_26)
    %scan3A_27 = arith.constant 0 : i32
    %scan3A_28 = arith.constant 125 : i32
    %scan3A_29 = arith.addi %scan3A_27, %scan3A_28 : i32
    %scan3A_30 = arith.constant 1 : i32
    scf.for %scan3A_38 = %scan3A_27 to %scan3A_29 step %scan3A_30  : i32 {
      %mul3A_39 = arith.constant 1 : i32
      %mul3A_40 = arith.muli %scan3A_38, %mul3A_39 : i32
      %add3A_41 = arith.constant 0 : i32
      %add3A_42 = arith.addi %add3A_41, %mul3A_40 : i32
      %mul3A_43 = arith.constant 80 : i32
      %mul3A_44 = arith.muli %add3A_42, %mul3A_43 : i32
      %add3A_45 = arith.addi %mul3A_4, %mul3A_44 : i32
      "tpu.region"() ({
        %run_scoped3A = tpu.sem_alloc : memref<!tpu.dma_semaphore, #tpu.memory_space<semaphore_mem>>
        %dma_start3A = tpu.memref_slice %arg4[%add3A_45] : memref<320000xi32, #tpu.memory_space<hbm>> -> memref<80xi32, #tpu.memory_space<hbm>>
        %dma_start3A_46 = tpu.memref_slice %arg4[%add3A_45] : memref<320000xi32, #tpu.memory_space<hbm>> -> memref<80xi32, #tpu.memory_space<hbm>>
        tpu.enqueue_dma source(%dma_start3A_46 : memref<80xi32, #tpu.memory_space<hbm>>) target(%arg10 : memref<80xi32, #tpu.memory_space<vmem>>) target_semaphore(%run_scoped3A : memref<!tpu.dma_semaphore, #tpu.memory_space<semaphore_mem>>)
        %dma_wait3A = tpu.memref_slice %arg4[%add3A_45] : memref<320000xi32, #tpu.memory_space<hbm>> -> memref<80xi32, #tpu.memory_space<hbm>>
        %dma_wait3A_47 = tpu.memref_slice %arg4[%add3A_45] : memref<320000xi32, #tpu.memory_space<hbm>> -> memref<80xi32, #tpu.memory_space<hbm>>
        tpu.wait_dma2 semaphore(%run_scoped3A : memref<!tpu.dma_semaphore, #tpu.memory_space<semaphore_mem>>) src(%dma_wait3A_47 : memref<80xi32, #tpu.memory_space<hbm>>) dst(%arg10 : memref<80xi32, #tpu.memory_space<vmem>>)
        tpu.yield
      }) : () -> ()
      "tpu.region"() ({
        %run_scoped3A = tpu.sem_alloc : memref<!tpu.dma_semaphore, #tpu.memory_space<semaphore_mem>>
        %dma_start3A = arith.constant 0 : i32
        %dma_start3A_46 = arith.constant 0 : i32
        %dma_start3A_47 = tpu.memref_slice %arg14[%dma_start3A, %dma_start3A_46] : memref<10240x128xf32, #tpu.memory_space<vmem_shared>> -> memref<10240x128xf32, #tpu.memory_space<vmem_shared>>
        tpu.enqueue_indirect_dma source(%arg11 : memref<80x128xf32, #tpu.memory_space<vmem>>) target(%dma_start3A_47 : memref<10240x128xf32, #tpu.memory_space<vmem_shared>>) offsets(%arg10 : memref<80xi32, #tpu.memory_space<vmem>>) semaphore(%run_scoped3A : memref<!tpu.dma_semaphore, #tpu.memory_space<semaphore_mem>>) {add = true}
        %dma_wait3A = arith.constant 0 : i32
        %dma_wait3A_48 = arith.constant 0 : i32
        %dma_wait3A_49 = tpu.memref_slice %arg14[%dma_wait3A, %dma_wait3A_48] : memref<10240x128xf32, #tpu.memory_space<vmem_shared>> -> memref<10240x128xf32, #tpu.memory_space<vmem_shared>>
        tpu.wait_indirect_dma semaphore(%run_scoped3A : memref<!tpu.dma_semaphore, #tpu.memory_space<semaphore_mem>>) src(%arg11 : memref<80x128xf32, #tpu.memory_space<vmem>>) dst(%dma_wait3A_49 : memref<10240x128xf32, #tpu.memory_space<vmem_shared>>)
        tpu.yield
      }) : () -> ()
    }
    %scan3A_31 = arith.constant 125 : i32
    %barrier3A_32 = arith.constant 0 : index
    tpu.barrier barrier_id(%barrier3A_32)
    %scan3A_33 = arith.constant 0 : i32
    %scan3A_34 = arith.constant 10 : i32
    %scan3A_35 = arith.addi %scan3A_33, %scan3A_34 : i32
    %scan3A_36 = arith.constant 1 : i32
    scf.for %scan3A_38 = %scan3A_33 to %scan3A_35 step %scan3A_36  : i32 {
      %mul3A_39 = arith.constant 1 : i32
      %mul3A_40 = arith.muli %scan3A_38, %mul3A_39 : i32
      %add3A_41 = arith.constant 0 : i32
      %add3A_42 = arith.addi %add3A_41, %mul3A_40 : i32
      %mul3A_43 = arith.constant 64 : i32
      %mul3A_44 = arith.muli %add3A_42, %mul3A_43 : i32
      %add3A_45 = arith.addi %mul3A_0, %mul3A_44 : i32
      %iota3A = tpu.iota {dimensions = array<i32: 0>} : vector<16xi32>
      %add3A_46 = arith.constant 0 : i32
      %add3A_47 = arith.addi %add3A_45, %add3A_46 : i32
      %add3A_48 = vector.broadcast %add3A_47 : i32 to vector<16xi32>
      %add3A_49 = arith.addi %iota3A, %add3A_48 : vector<16xi32>
      %swap3A = arith.constant 0 : index
      %swap3A_50 = tpu.vector_load %arg13[%swap3A] {strides = array<i32>} : memref<64xi32, #tpu.memory_space<vmem>>, vector<16xi32>,
      %swap3A_51 = vector.shape_cast %swap3A_50 : vector<16xi32> to vector<16xi32>
      %swap3A_52 = vector.shape_cast %add3A_49 : vector<16xi32> to vector<16xi32>
      tpu.vector_store %arg13[%swap3A], %swap3A_52 {strides = array<i32>} : memref<64xi32, #tpu.memory_space<vmem>>, vector<16xi32>,
      %iota3A_53 = tpu.iota {dimensions = array<i32: 0>} : vector<16xi32>
      %add3A_54 = arith.constant 16 : i32
      %add3A_55 = arith.addi %add3A_45, %add3A_54 : i32
      %add3A_56 = vector.broadcast %add3A_55 : i32 to vector<16xi32>
      %add3A_57 = arith.addi %iota3A_53, %add3A_56 : vector<16xi32>
      %swap3A_58 = arith.constant 16 : index
      %swap3A_59 = tpu.vector_load %arg13[%swap3A_58] {strides = array<i32>} : memref<64xi32, #tpu.memory_space<vmem>>, vector<16xi32>,
      %swap3A_60 = vector.shape_cast %swap3A_59 : vector<16xi32> to vector<16xi32>
      %swap3A_61 = vector.shape_cast %add3A_57 : vector<16xi32> to vector<16xi32>
      tpu.vector_store %arg13[%swap3A_58], %swap3A_61 {strides = array<i32>} : memref<64xi32, #tpu.memory_space<vmem>>, vector<16xi32>,
      %iota3A_62 = tpu.iota {dimensions = array<i32: 0>} : vector<16xi32>
      %add3A_63 = arith.constant 32 : i32
      %add3A_64 = arith.addi %add3A_45, %add3A_63 : i32
      %add3A_65 = vector.broadcast %add3A_64 : i32 to vector<16xi32>
      %add3A_66 = arith.addi %iota3A_62, %add3A_65 : vector<16xi32>
      %swap3A_67 = arith.constant 32 : index
      %swap3A_68 = tpu.vector_load %arg13[%swap3A_67] {strides = array<i32>} : memref<64xi32, #tpu.memory_space<vmem>>, vector<16xi32>,
      %swap3A_69 = vector.shape_cast %swap3A_68 : vector<16xi32> to vector<16xi32>
      %swap3A_70 = vector.shape_cast %add3A_66 : vector<16xi32> to vector<16xi32>
      tpu.vector_store %arg13[%swap3A_67], %swap3A_70 {strides = array<i32>} : memref<64xi32, #tpu.memory_space<vmem>>, vector<16xi32>,
      %iota3A_71 = tpu.iota {dimensions = array<i32: 0>} : vector<16xi32>
      %add3A_72 = arith.constant 48 : i32
      %add3A_73 = arith.addi %add3A_45, %add3A_72 : i32
      %add3A_74 = vector.broadcast %add3A_73 : i32 to vector<16xi32>
      %add3A_75 = arith.addi %iota3A_71, %add3A_74 : vector<16xi32>
      %swap3A_76 = arith.constant 48 : index
      %swap3A_77 = tpu.vector_load %arg13[%swap3A_76] {strides = array<i32>} : memref<64xi32, #tpu.memory_space<vmem>>, vector<16xi32>,
      %swap3A_78 = vector.shape_cast %swap3A_77 : vector<16xi32> to vector<16xi32>
      %swap3A_79 = vector.shape_cast %add3A_75 : vector<16xi32> to vector<16xi32>
      tpu.vector_store %arg13[%swap3A_76], %swap3A_79 {strides = array<i32>} : memref<64xi32, #tpu.memory_space<vmem>>, vector<16xi32>,
      "tpu.region"() ({
        %run_scoped3A = tpu.sem_alloc : memref<!tpu.dma_semaphore, #tpu.memory_space<semaphore_mem>>
        %dma_start3A = arith.constant 0 : i32
        %dma_start3A_83 = arith.constant 0 : i32
        %dma_start3A_84 = tpu.memref_slice %arg14[%dma_start3A, %dma_start3A_83] : memref<10240x128xf32, #tpu.memory_space<vmem_shared>> -> memref<10240x128xf32, #tpu.memory_space<vmem_shared>>
        tpu.enqueue_indirect_dma source(%dma_start3A_84 : memref<10240x128xf32, #tpu.memory_space<vmem_shared>>) target(%arg12 : memref<64x128xf32, #tpu.memory_space<vmem>>) offsets(%arg13 : memref<64xi32, #tpu.memory_space<vmem>>) semaphore(%run_scoped3A : memref<!tpu.dma_semaphore, #tpu.memory_space<semaphore_mem>>)
        %dma_wait3A = arith.constant 0 : i32
        %dma_wait3A_85 = arith.constant 0 : i32
        %dma_wait3A_86 = tpu.memref_slice %arg14[%dma_wait3A, %dma_wait3A_85] : memref<10240x128xf32, #tpu.memory_space<vmem_shared>> -> memref<10240x128xf32, #tpu.memory_space<vmem_shared>>
        tpu.wait_indirect_dma semaphore(%run_scoped3A : memref<!tpu.dma_semaphore, #tpu.memory_space<semaphore_mem>>) src(%dma_wait3A_86 : memref<10240x128xf32, #tpu.memory_space<vmem_shared>>) dst(%arg12 : memref<64x128xf32, #tpu.memory_space<vmem>>)
        tpu.yield
      }) : () -> ()
      %mul3A_80 = arith.constant 10240 : i32
      %mul3A_81 = arith.muli %arg0, %mul3A_80 : i32
      %add3A_82 = arith.addi %mul3A_81, %add3A_45 : i32
      "tpu.region"() ({
        %run_scoped3A = tpu.sem_alloc : memref<!tpu.dma_semaphore, #tpu.memory_space<semaphore_mem>>
        %dma_start3A = arith.constant 0 : i32
        %dma_start3A_83 = tpu.memref_slice %arg8[%add3A_82, %dma_start3A] : memref<20480x128xf32, #tpu.memory_space<hbm>> -> memref<64x128xf32, #tpu.memory_space<hbm>>
        %dma_start3A_84 = arith.constant 0 : i32
        %dma_start3A_85 = tpu.memref_slice %arg8[%add3A_82, %dma_start3A_84] : memref<20480x128xf32, #tpu.memory_space<hbm>> -> memref<64x128xf32, #tpu.memory_space<hbm>>
        tpu.enqueue_dma source(%arg12 : memref<64x128xf32, #tpu.memory_space<vmem>>) target(%dma_start3A_85 : memref<64x128xf32, #tpu.memory_space<hbm>>) target_semaphore(%run_scoped3A : memref<!tpu.dma_semaphore, #tpu.memory_space<semaphore_mem>>)
        %dma_wait3A = arith.constant 0 : i32
        %dma_wait3A_86 = tpu.memref_slice %arg8[%add3A_82, %dma_wait3A] : memref<20480x128xf32, #tpu.memory_space<hbm>> -> memref<64x128xf32, #tpu.memory_space<hbm>>
        %dma_wait3A_87 = arith.constant 0 : i32
        %dma_wait3A_88 = tpu.memref_slice %arg8[%add3A_82, %dma_wait3A_87] : memref<20480x128xf32, #tpu.memory_space<hbm>> -> memref<64x128xf32, #tpu.memory_space<hbm>>
        tpu.wait_dma2 semaphore(%run_scoped3A : memref<!tpu.dma_semaphore, #tpu.memory_space<semaphore_mem>>) src(%arg12 : memref<64x128xf32, #tpu.memory_space<vmem>>) dst(%dma_wait3A_88 : memref<64x128xf32, #tpu.memory_space<hbm>>)
        tpu.yield
      }) : () -> ()
    }
    %scan3A_37 = arith.constant 10 : i32
    return
  }
}

module attributes {stable_mosaic.version = 14 : i64} {
  func.func @_tc_kernel(%arg0: i32, %arg1: memref<2x1024x128xf32, #tpu.memory_space<vmem>>, %arg2: memref<2x1024x128xf32, #tpu.memory_space<vmem>>, %arg3: memref<1024x128xf32, #tpu.memory_space<vmem>>, %arg4: memref<2x128x128xf32, #tpu.memory_space<vmem>>, %arg5: memref<2x128x128xf32, #tpu.memory_space<vmem>>, %arg6: memref<2x128xf32, #tpu.memory_space<vmem>>, %arg7: memref<1024x256xf32, #tpu.memory_space<vmem>>) attributes {dimension_semantics = [#tpu.dimension_semantics<arbitrary>], iteration_bounds = array<i64: 10>, scalar_prefetch = 0 : i64, scratch_operands = 0 : i64, tpu.core_type = #tpu.core_type<tc>, window_params = [{transform_indices = @transform_0, window_bounds = array<i64: 2, 1024, 128>}, {transform_indices = @transform_1, window_bounds = array<i64: 2, 1024, 128>}, {transform_indices = @transform_2, window_bounds = array<i64: 1024, 128>}, {pipeline_mode = #tpu.pipeline_mode<synchronous>, transform_indices = @transform_3, window_bounds = array<i64: 2, 128, 128>}, {pipeline_mode = #tpu.pipeline_mode<synchronous>, transform_indices = @transform_4, window_bounds = array<i64: 2, 128, 128>}, {pipeline_mode = #tpu.pipeline_mode<synchronous>, transform_indices = @transform_5, window_bounds = array<i64: 2, 128>}, {transform_indices = @transform_6, window_bounds = array<i64: 1024, 256>}]} {
    %get3A = arith.constant 0 : index
    %get3A_0 = arith.constant 0 : index
    %get3A_1 = arith.constant 0 : index
    %get3A_2 = vector.load %arg1[%get3A, %get3A_0, %get3A_1] : memref<2x1024x128xf32, #tpu.memory_space<vmem>>, vector<1x1024x128xf32>
    %get3A_3 = vector.shape_cast %get3A_2 : vector<1x1024x128xf32> to vector<1024x128xf32>
    %get3A_4 = arith.constant 1 : index
    %get3A_5 = arith.constant 0 : index
    %get3A_6 = arith.constant 0 : index
    %get3A_7 = vector.load %arg1[%get3A_4, %get3A_5, %get3A_6] : memref<2x1024x128xf32, #tpu.memory_space<vmem>>, vector<1x1024x128xf32>
    %get3A_8 = vector.shape_cast %get3A_7 : vector<1x1024x128xf32> to vector<1024x128xf32>
    %add3A = arith.addf %get3A_3, %get3A_8 : vector<1024x128xf32>
    %get3A_9 = arith.constant 0 : index
    %get3A_10 = arith.constant 0 : index
    %get3A_11 = arith.constant 0 : index
    %get3A_12 = vector.load %arg2[%get3A_9, %get3A_10, %get3A_11] : memref<2x1024x128xf32, #tpu.memory_space<vmem>>, vector<1x1024x1xf32>
    %get3A_13 = vector.shape_cast %get3A_12 : vector<1x1024x1xf32> to vector<1024x1xf32>
    %get3A_14 = arith.constant 1 : index
    %get3A_15 = arith.constant 0 : index
    %get3A_16 = arith.constant 0 : index
    %get3A_17 = vector.load %arg2[%get3A_14, %get3A_15, %get3A_16] : memref<2x1024x128xf32, #tpu.memory_space<vmem>>, vector<1x1024x1xf32>
    %get3A_18 = vector.shape_cast %get3A_17 : vector<1x1024x1xf32> to vector<1024x1xf32>
    %add3A_19 = arith.addf %get3A_13, %get3A_18 : vector<1024x1xf32>
    %max3A = arith.constant 1.000000e+00 : f32
    %max3A_20 = vector.broadcast %max3A : f32 to vector<1024x1xf32>
    %max3A_21 = arith.maximumf %add3A_19, %max3A_20 : vector<1024x1xf32>
    %div3A = arith.constant 1.000000e+00 : f32
    %div3A_22 = vector.broadcast %div3A : f32 to vector<1024x1xf32>
    %div3A_23 = arith.divf %div3A_22, %max3A_21 : vector<1024x1xf32>
    %mul3A = vector.broadcast %div3A_23 : vector<1024x1xf32> to vector<1024x128xf32>
    %mul3A_24 = arith.mulf %add3A, %mul3A : vector<1024x128xf32>
    %get3A_25 = arith.constant 0 : index
    %get3A_26 = arith.constant 0 : index
    %get3A_27 = vector.load %arg3[%get3A_25, %get3A_26] : memref<1024x128xf32, #tpu.memory_space<vmem>>, vector<1024x128xf32>
    %get3A_28 = arith.constant 0 : index
    %get3A_29 = arith.constant 0 : index
    %get3A_30 = arith.constant 0 : index
    %get3A_31 = vector.load %arg4[%get3A_28, %get3A_29, %get3A_30] : memref<2x128x128xf32, #tpu.memory_space<vmem>>, vector<1x128x128xf32>
    %get3A_32 = vector.shape_cast %get3A_31 : vector<1x128x128xf32> to vector<128x128xf32>
    %dot_general3A = arith.constant dense<0.000000e+00> : vector<1024x128xf32>
    %dot_general3A_33 = tpu.matmul %mul3A_24, %get3A_32, %dot_general3A {dimension_numbers = #tpu.dot_dimension_numbers<[1], [1], [0], [0], [0, 0, 1, 0], [], []>, transpose_lhs_hint = false} : vector<1024x128xf32>, vector<128x128xf32>, vector<1024x128xf32> -> vector<1024x128xf32>
    %get3A_34 = arith.constant 0 : index
    %get3A_35 = arith.constant 0 : index
    %get3A_36 = vector.load %arg6[%get3A_34, %get3A_35] : memref<2x128xf32, #tpu.memory_space<vmem>>, vector<1x128xf32>
    %get3A_37 = vector.shape_cast %get3A_36 : vector<1x128xf32> to vector<128xf32>
    %broadcast_in_dim3A = vector.shape_cast %get3A_37 : vector<128xf32> to vector<1x128xf32>
    %add3A_38 = vector.broadcast %broadcast_in_dim3A : vector<1x128xf32> to vector<1024x128xf32>
    %add3A_39 = arith.addf %dot_general3A_33, %add3A_38 : vector<1024x128xf32>
    %get3A_40 = arith.constant 0 : index
    %get3A_41 = arith.constant 0 : index
    %get3A_42 = arith.constant 0 : index
    %get3A_43 = vector.load %arg5[%get3A_40, %get3A_41, %get3A_42] : memref<2x128x128xf32, #tpu.memory_space<vmem>>, vector<1x128x128xf32>
    %get3A_44 = vector.shape_cast %get3A_43 : vector<1x128x128xf32> to vector<128x128xf32>
    %dot_general3A_45 = arith.constant dense<0.000000e+00> : vector<1024x128xf32>
    %dot_general3A_46 = tpu.matmul %get3A_27, %get3A_44, %dot_general3A_45 {dimension_numbers = #tpu.dot_dimension_numbers<[1], [1], [0], [0], [0, 0, 1, 0], [], []>, transpose_lhs_hint = false} : vector<1024x128xf32>, vector<128x128xf32>, vector<1024x128xf32> -> vector<1024x128xf32>
    %add3A_47 = arith.addf %add3A_39, %dot_general3A_46 : vector<1024x128xf32>
    %ge3A = arith.constant 0.000000e+00 : f32
    %ge3A_48 = vector.broadcast %ge3A : f32 to vector<1024x128xf32>
    %ge3A_49 = arith.cmpf oge, %add3A_47, %ge3A_48 : vector<1024x128xf32>
    %mul3A_50 = arith.constant 0.00999999977 : f32
    %mul3A_51 = vector.broadcast %mul3A_50 : f32 to vector<1024x128xf32>
    %mul3A_52 = arith.mulf %mul3A_51, %add3A_47 : vector<1024x128xf32>
    %select_n3A = arith.select %ge3A_49, %add3A_47, %mul3A_52 : vector<1024x128xi1>, vector<1024x128xf32>
    %swap3A = arith.constant 0 : index
    %swap3A_53 = arith.constant 0 : index
    %swap3A_54 = vector.load %arg7[%swap3A, %swap3A_53] : memref<1024x256xf32, #tpu.memory_space<vmem>>, vector<1024x128xf32>
    tpu.vector_store %arg7[%swap3A, %swap3A_53], %select_n3A {strides = array<i32>} : memref<1024x256xf32, #tpu.memory_space<vmem>>, vector<1024x128xf32>,
    %get3A_55 = arith.constant 1 : index
    %get3A_56 = arith.constant 0 : index
    %get3A_57 = arith.constant 0 : index
    %get3A_58 = vector.load %arg4[%get3A_55, %get3A_56, %get3A_57] : memref<2x128x128xf32, #tpu.memory_space<vmem>>, vector<1x128x128xf32>
    %get3A_59 = vector.shape_cast %get3A_58 : vector<1x128x128xf32> to vector<128x128xf32>
    %dot_general3A_60 = arith.constant dense<0.000000e+00> : vector<1024x128xf32>
    %dot_general3A_61 = tpu.matmul %mul3A_24, %get3A_59, %dot_general3A_60 {dimension_numbers = #tpu.dot_dimension_numbers<[1], [1], [0], [0], [0, 0, 1, 0], [], []>, transpose_lhs_hint = false} : vector<1024x128xf32>, vector<128x128xf32>, vector<1024x128xf32> -> vector<1024x128xf32>
    %get3A_62 = arith.constant 1 : index
    %get3A_63 = arith.constant 0 : index
    %get3A_64 = vector.load %arg6[%get3A_62, %get3A_63] : memref<2x128xf32, #tpu.memory_space<vmem>>, vector<1x128xf32>
    %get3A_65 = vector.shape_cast %get3A_64 : vector<1x128xf32> to vector<128xf32>
    %broadcast_in_dim3A_66 = vector.shape_cast %get3A_65 : vector<128xf32> to vector<1x128xf32>
    %add3A_67 = vector.broadcast %broadcast_in_dim3A_66 : vector<1x128xf32> to vector<1024x128xf32>
    %add3A_68 = arith.addf %dot_general3A_61, %add3A_67 : vector<1024x128xf32>
    %get3A_69 = arith.constant 1 : index
    %get3A_70 = arith.constant 0 : index
    %get3A_71 = arith.constant 0 : index
    %get3A_72 = vector.load %arg5[%get3A_69, %get3A_70, %get3A_71] : memref<2x128x128xf32, #tpu.memory_space<vmem>>, vector<1x128x128xf32>
    %get3A_73 = vector.shape_cast %get3A_72 : vector<1x128x128xf32> to vector<128x128xf32>
    %dot_general3A_74 = arith.constant dense<0.000000e+00> : vector<1024x128xf32>
    %dot_general3A_75 = tpu.matmul %get3A_27, %get3A_73, %dot_general3A_74 {dimension_numbers = #tpu.dot_dimension_numbers<[1], [1], [0], [0], [0, 0, 1, 0], [], []>, transpose_lhs_hint = false} : vector<1024x128xf32>, vector<128x128xf32>, vector<1024x128xf32> -> vector<1024x128xf32>
    %add3A_76 = arith.addf %add3A_68, %dot_general3A_75 : vector<1024x128xf32>
    %ge3A_77 = arith.constant 0.000000e+00 : f32
    %ge3A_78 = vector.broadcast %ge3A_77 : f32 to vector<1024x128xf32>
    %ge3A_79 = arith.cmpf oge, %add3A_76, %ge3A_78 : vector<1024x128xf32>
    %mul3A_80 = arith.constant 0.00999999977 : f32
    %mul3A_81 = vector.broadcast %mul3A_80 : f32 to vector<1024x128xf32>
    %mul3A_82 = arith.mulf %mul3A_81, %add3A_76 : vector<1024x128xf32>
    %select_n3A_83 = arith.select %ge3A_79, %add3A_76, %mul3A_82 : vector<1024x128xi1>, vector<1024x128xf32>
    %swap3A_84 = arith.constant 0 : index
    %swap3A_85 = arith.constant 128 : index
    %swap3A_86 = vector.load %arg7[%swap3A_84, %swap3A_85] : memref<1024x256xf32, #tpu.memory_space<vmem>>, vector<1024x128xf32>
    tpu.vector_store %arg7[%swap3A_84, %swap3A_85], %select_n3A_83 {strides = array<i32>} : memref<1024x256xf32, #tpu.memory_space<vmem>>, vector<1024x128xf32>,
    return
  }
  func.func @transform_0(%arg0: i32) -> (i32, i32, i32) {
    %c0_i32 = arith.constant 0 : i32
    %c0_i32_0 = arith.constant 0 : i32
    %c0_i32_1 = arith.constant 0 : i32
    return %c0_i32, %arg0, %c0_i32_0 : i32, i32, i32
  }
  func.func @transform_1(%arg0: i32) -> (i32, i32, i32) {
    %c0_i32 = arith.constant 0 : i32
    %c0_i32_0 = arith.constant 0 : i32
    %c0_i32_1 = arith.constant 0 : i32
    return %c0_i32, %arg0, %c0_i32_0 : i32, i32, i32
  }
  func.func @transform_2(%arg0: i32) -> (i32, i32) {
    %c0_i32 = arith.constant 0 : i32
    %c0_i32_0 = arith.constant 0 : i32
    return %arg0, %c0_i32 : i32, i32
  }
  func.func @transform_3(%arg0: i32) -> (i32, i32, i32) {
    %c0_i32 = arith.constant 0 : i32
    %c0_i32_0 = arith.constant 0 : i32
    %c0_i32_1 = arith.constant 0 : i32
    %c0_i32_2 = arith.constant 0 : i32
    return %c0_i32, %c0_i32_0, %c0_i32_1 : i32, i32, i32
  }
  func.func @transform_4(%arg0: i32) -> (i32, i32, i32) {
    %c0_i32 = arith.constant 0 : i32
    %c0_i32_0 = arith.constant 0 : i32
    %c0_i32_1 = arith.constant 0 : i32
    %c0_i32_2 = arith.constant 0 : i32
    return %c0_i32, %c0_i32_0, %c0_i32_1 : i32, i32, i32
  }
  func.func @transform_5(%arg0: i32) -> (i32, i32) {
    %c0_i32 = arith.constant 0 : i32
    %c0_i32_0 = arith.constant 0 : i32
    %c0_i32_1 = arith.constant 0 : i32
    return %c0_i32, %c0_i32_0 : i32, i32
  }
  func.func @transform_6(%arg0: i32) -> (i32, i32) {
    %c0_i32 = arith.constant 0 : i32
    %c0_i32_0 = arith.constant 0 : i32
    return %arg0, %c0_i32 : i32, i32
  }
}

</mosaic_0001>

<sc_bundles>
// kernel: kernel.4.cloned.1.call-start
scs
__scs_entry_jumppad:
0x0: {  	(pc) =	sbr.rel $0x88, $3  }
0x1: {  	(tag) =	ssettag $0x0;
	lr =	simm.s32 $0x1  }
0x2: {  	[smem:$0x3F9C] =	sst lr;
	_ =	strace $0xD0000000  }
0x3: {  	_ = 	snop  }
0x4: {  	_ = 	snop  }
0x5: {  	_ = 	snop  }
0x6: {  	_ = 	snop  }
0x7: {  	_ = 	snop  }
__scs_overlays_trampoline_lowered:
0x8: {  	[smem:$0x3FAB] =	sst s0  }
0x9: {  	[smem:$0x3FAC] =	sst s1  }
0xa: {  	[smem:$0x3FAD] =	sst s2  }
0xb: {  	[smem:$0x3FAE] =	sst s3  }
0xc: {  	[smem:$0x3FAF] =	sst s4  }
0xd: {  	[smem:$0x3FB0] =	sst s5  }
0xe: {  	[smem:$0x3FB1] =	sst s6  }
0xf: {  	[smem:$0x3FB2] =	sst s7  }
0x10: {  	[smem:$0x3FB3] =	sst s8  }
0x11: {  	[smem:$0x3FB4] =	sst s9;
	s0 =	simm.s32 @!p0 $0x0  }
0x12: {  	s1 =	sld [smem:$0x3F9A];
	s0 =	simm.s32 @p0 $0x1  }
0x13: {  	[smem:$0x3FB5] =	sst s0;
	s0 =	simm.s32 @!p1 $0x0  }
0x14: {  	s2 =	sld [smem:$0x3F99];
	s0 =	simm.s32 @p1 $0x1  }
0x15: {  	[smem:$0x3FB6] =	sst s0;
	s0 =	simm.s32 @!p2 $0x0  }
0x16: {  	s3 =	sld [smem:$0x3FDB];
	s0 =	simm.s32 @p2 $0x1  }
0x17: {  	s4 =	simm.s32 $0x1BF5;
	[smem:$0x3FB8] =	sst s0  }
0x18: {  	s0 =	sld [smem:$0x3F9B];
	_ =	swait.ge [sflag:s4], $0x0  }
0x19: {  	s7 =	sld [smem:$0x3F9C]  }
0x1a: {  	s8 =	sadd.s32 $0xFFFFE003, lr  }
0x1b: {  	s9 =	sadd.s32 $0xFFFFFEF7, lr;
	s5 =	simm.s32 $0xFFFFFFFF;
	p2 =	slt.u32 s8, $0xFFFFF086  }
0x1c: {  	p1 =	slt.u32 s9, $0xF7A;
	s5 =	simm.s32 @!p2 $0x0  }
0x1d: {  	s5 =	simm.s32 @p1 $0x1;
	p0 =	seq.s32 s7, s2  }
0x1e: {  	s7 =	smul.u32 @!p0 $0xF7A, s2;
	p2 =	seq.s32 @!p0 s5, $0x0  }
0x1f: {  	s9 =	smul.u32 $0xF7A, s1;
	s8 =	simm.s32 @!p0 $0x1BF5;
	p2 =	por !p2, p0  }
0x20: {  	[sflag:s8] =	ssyncset.s32 @!p0 $0xFFFFF086;
	s6 =	sadd.s32 @!p0 s3, s7;
	s7 =	simm.s32 @!p0 $0x108  }
0x21: {  	s3 =	sadd.s32 s3, s9;
	s6 =	sadd.s32 @!p0 $0x88, s6;
	s7 =	simm.s32 @p2 $0x1082  }
0x22: {  	[simem:s7], [sflag:s8] =	dma.local @!p0 [hbm:s6], $0xF7A  }
0x23: {  	s9 =	sor.u32 $0xD0000000, s2;
	s6 =	simm.s32 $0x108;
	_ =	swait.ge @!p0 [sflag:s8], $0x0  }
0x24: {  	s3 =	sadd.s32 $0x88, s3;
	s6 =	simm.s32 @!p1 $0x1082;
	[sflag:s4] =	ssyncset.s32 $0xFFFFF086  }
0x25: {  	[simem:s6], [sflag:s4] =	dma.local [hbm:s3], $0xF7A  }
0x26: {  	[smem:$0x3F9C] =	sst s1;
	(tag) =	ssettag s2;
	_ =	strace s9  }
0x27: {  	s1 =	sld [smem:$0x3FAC]  }
0x28: {  	s2 =	sld [smem:$0x3FAD]  }
0x29: {  	s4 =	sld [smem:$0x3FAF]  }
0x2a: {  	p0 =	seq.s32 s5, $0x0;
	s5 =	sld [smem:$0x3FB0]  }
0x2b: {  	s6 =	sld [smem:$0x3FB1]  }
0x2c: {  	s7 =	sld [smem:$0x3FB2]  }
0x2d: {  	s3 =	simm.s32 $0x108;
	s8 =	sld [smem:$0x3FB3]  }
0x2e: {  	s3 =	simm.s32 @!p0 $0x1082;
	s9 =	sld [smem:$0x3FB4]  }
0x2f: {  	lr =	sadd.s32 s0, s3;
	s0 =	sld [smem:$0x3FAB]  }
0x30: {  	s3 =	sld [smem:$0x3FAE]  }
0x31: {  	[smem:$0x3FB7] =	sst s10  }
0x32: {  	s10 =	sld [smem:$0x3FB5];
	_ =	sdelay $0x3  }
0x33: {  	p0 =	seq.s32 s10, $0x1;
	s10 =	sld [smem:$0x3FB7];
	_ =	sdelay $0x3  }
0x34: {  	[smem:$0x3FB7] =	sst s10  }
0x35: {  	s10 =	sld [smem:$0x3FB6];
	_ =	sdelay $0x3  }
0x36: {  	p1 =	seq.s32 s10, $0x1;
	s10 =	sld [smem:$0x3FB7];
	_ =	sdelay $0x3  }
0x37: {  	[smem:$0x3FB7] =	sst s10  }
0x38: {  	s10 =	sld [smem:$0x3FB8]  }
0x39: {  	_ = 	snop;
	(pc) =	sbr.ind lr, $3  }
0x3a: {  	_ = 	snop  }
0x3b: {  	_ = 	snop  }
0x3c: {  	p2 =	seq.s32 s10, $0x1;
	s10 =	sld [smem:$0x3FB7]  }
0x3d: {  	_ =	shalt  }
0x3e: {  	_ =	shalt  }
0x3f: {  	_ =	shalt  }
0x40: {  	_ =	shalt  }
0x41: {  	_ =	shalt  }
0x42: {  	_ =	shalt  }
0x43: {  	_ =	shalt  }
0x44: {  	_ =	shalt  }
0x45: {  	_ =	shalt  }
0x46: {  	_ =	shalt  }
0x47: {  	_ =	shalt  }
0x48: {  	_ =	shalt  }
0x49: {  	_ =	shalt  }
0x4a: {  	_ =	shalt  }
0x4b: {  	_ =	shalt  }
0x4c: {  	_ =	shalt  }
0x4d: {  	_ =	shalt  }
0x4e: {  	_ =	shalt  }
0x4f: {  	_ =	shalt  }
0x50: {  	_ =	shalt  }
0x51: {  	_ =	shalt  }
0x52: {  	_ =	shalt  }
0x53: {  	_ =	shalt  }
0x54: {  	_ =	shalt  }
0x55: {  	_ =	shalt  }
0x56: {  	_ =	shalt  }
0x57: {  	_ =	shalt  }
0x58: {  	_ =	shalt  }
0x59: {  	_ =	shalt  }
0x5a: {  	_ =	shalt  }
0x5b: {  	_ =	shalt  }
0x5c: {  	_ =	shalt  }
0x5d: {  	_ =	shalt  }
0x5e: {  	_ =	shalt  }
0x5f: {  	_ =	shalt  }
0x60: {  	_ =	shalt  }
0x61: {  	_ =	shalt  }
0x62: {  	_ =	shalt  }
0x63: {  	_ =	shalt  }
0x64: {  	_ =	shalt  }
0x65: {  	_ =	shalt  }
0x66: {  	_ =	shalt  }
0x67: {  	_ =	shalt  }
0x68: {  	_ =	shalt  }
0x69: {  	_ =	shalt  }
0x6a: {  	_ =	shalt  }
0x6b: {  	_ =	shalt  }
0x6c: {  	_ =	shalt  }
0x6d: {  	_ =	shalt  }
0x6e: {  	_ =	shalt  }
0x6f: {  	_ =	shalt  }
0x70: {  	_ =	shalt  }
0x71: {  	_ =	shalt  }
0x72: {  	_ =	shalt  }
0x73: {  	_ =	shalt  }
0x74: {  	_ =	shalt  }
0x75: {  	_ =	shalt  }
0x76: {  	_ =	shalt  }
0x77: {  	_ =	shalt  }
0x78: {  	_ =	shalt  }
0x79: {  	_ =	shalt  }
0x7a: {  	_ =	shalt  }
0x7b: {  	_ =	shalt  }
0x7c: {  	_ =	shalt  }
0x7d: {  	_ =	shalt  }
0x7e: {  	_ =	shalt  }
0x7f: {  	_ =	shalt  }
0x80: {  	_ =	shalt  }
0x81: {  	_ =	shalt  }
0x82: {  	_ =	shalt  }
0x83: {  	_ =	shalt  }
0x84: {  	_ =	shalt  }
0x85: {  	_ =	shalt  }
0x86: {  	_ =	shalt  }
0x87: {  	_ =	shalt  }
.Lfunc_end0:
.L_simem_size_0:
called_computation_lowered:
.L_overlay_start_0:
0x88: {  	s2 =	sld [smem:$0x3FD9]  }
0x89: {  	s3 =	sld [smem:$0x3FFE];
	_ =	sdelay $0x1  }
0x8a: {  	s1 =	srdreg.scid  }
0x8b: {  	s0 =	sand.u32 $0x1, s1  }
0x8c: {  	s17 =	sshll.u32 s0, $0xA;
	s2 =	sadd.s32 s3, s2  }
0x8d: {  	s2 =	sadd.s32 s2, s17  }
0x8e: {  	[smem:$0x3FC3] =	sst s2  }
0x8f: {  	_ = 	snop  }
0x90: {  	s2 =	sld [smem:$0x3FD0];
	(tm) =	ssettm $0x1  }
0x91: {  	s18 =	sld [smem:$0x3FFB];
	_ =	sdelay $0x3  }
0x92: {  	_ =	strace s18  }
0x93: {  	s3 =	sld [smem:$0x3FFC];
	_ =	sdelay $0x3  }
0x94: {  	_ =	strace s3  }
0x95: {  	s3 =	sld [smem:$0x3FFD];
	_ =	sdelay $0x3  }
0x96: {  	_ =	strace s3  }
0x97: {  	_ =	strace $0x8FFFFFFF  }
0x98: {  	s19 =	sld [smem:$0x3FDB];
	_ =	sdelay $0x1  }
0x99: {  	s4 =	simm.s32 $_scs_section_size  }
0x9a: {  	s5 =	simm.s32 $_size__tile_overlayer_lowered;
	s6 =	simm.s32 $_tile_overlayer_lowered  }
0x9b: {  	s22 =	simm.s32 $0x1BFF;
	s21 =	sshll.u32 s6, $0x1;
	s3 =	sadd.s32 s4, s19  }
0x9c: {  	s7 =	simm.s32 $0x0;
	s20 =	sshll.u32 s5, $0x1;
	s5 =	sadd.s32 s21, s3  }
0x9d: {  	[timem:s7], [sflag:s22] =	dma.local [hbm:s5], s20  }
0x9e: {  	_ =	swait.ge [sflag:s22], s20  }
0x9f: {  	s4 =	ssub.s32 $0x0, s20;
	[sflag:s22] =	ssyncset.done $0x0  }
0xa0: {  	[sflag:s22] =	ssyncadd.s32 s4;
	_ =	sdelay $0x1  }
0xa1: {  	s23 =	simm.s32 $0x1B8B  }
0xa2: {  	_ =	swait.ge [sflag:s23], $0x1  }
0xa3: {  	[sflag:s23] =	ssyncset.done $0x0  }
0xa4: {  	s25 =	simm.s32 $0x1B8E;
	s24 =	sld [smem:$0x3FFE];
	[sflag:s23] =	ssyncadd.s32 $0xFFFFFFFF  }
0xa5: {  	s26 =	simm.s32 $execute0_lowered;
	[smem:$0x3FD2] =	sst s25  }
0xa6: {  	s5 =	sshll.u32 s26, $0x1;
	_ =	strace $0x80000046;
	[dreg:$0x1] =	wrdreg $0xFFFFFFFF  }
0xa7: {  	s28 =	simm.s32 $_size_execute0_lowered;
	s3 =	sadd.s32 s3, s5;
	[dreg:$0x0] =	wrdreg $0x0  }
0xa8: {  	s5 =	sshll.u32 s28, $0x1;
	[dreg:$0x2] =	wrdreg s3  }
0xa9: {  	[dreg:$0x3] =	wrdreg s5  }
0xaa: {  	[dreg:$0x4] =	wrdreg $0xC0  }
0xab: {  	_ =	task [dreg:s7], $0x5FFFF  }
0xac: {  	[dreg:$0x1] =	wrdreg $0xFFFFFFFF  }
0xad: {  	[dreg:$0x0] =	wrdreg $0x60  }
0xae: {  	[dreg:$0x2] =	wrdreg s2  }
0xaf: {  	[dreg:$0x3] =	wrdreg s24  }
0xb0: {  	[dreg:$0x4] =	wrdreg $0x49800  }
0xb1: {  	[dreg:$0x5] =	wrdreg $0x9  }
0xb2: {  	_ =	task.clear_ibuf [dreg:s7], $0x6FFFF;
	_ =	strace $0x90000046  }
0xb3: {  	s29 =	simm.s32 $0x9;
	_ =	strace $0x80000048  }
0xb4: {  	_ =	swait.ge [sflag:s29], $0x1  }
0xb5: {  	[sflag:s29] =	ssyncadd.s32 $0xFFFFFFFF  }
0xb6: {  	_ =	strace $0x90000048  }
0xb7: {  	_ =	sfence  }
0xb8: {  	s30 =	sld [smem:$0x0];
	_ =	sdelay $0x2  }
0xb9: {  	s31 =	sshll.u32 s1, $0xD;
	s1 =	sshrl.u32 s1, $0x2  }
0xba: {  	s3 =	sand.u32 $0x4000, s31;
	s1 =	sadd.s32 s1, s30  }
0xbb: {  	s0 =	sor.u32 s3, s0;
	s1 =	sshll.u32 s1, $0x11  }
0xbc: {  	s0 =	sor.u32 s1, s0  }
0xbd: {  	s0 =	sadd.s32 $0x8F2B, s0  }
0xbe: {  	[sflag:s0] =	ssyncadd.remote.s32 $0x1  }
0xbf: {  	_ =	sfence.sel $0xFFFF  }
0xc0: {  	[dreg:$0x0] =	wrdreg $0xFFFFFFFF;
	(pc) =	sbr.abs _section_cstart, $3  }
0xc1: {  	[dreg:$0x1] =	wrdreg $0xFFFFFFFF  }
0xc2: {  	_ =	task.clear_ibuf [dreg:s7], $0x2FFFF;
	_ =	strace $0x9FFFFFFF  }
0xc3: {  	(tm) =	ssettm $0x7FFFFFFF  }
tec
execute0_lowered:
.L_overlay_start_1:
0x0: {  	(tag) =	ssettag $0x1  }
0x1: {  	s1 =	rddreg [dreg:$0x0]  }
0x2: {  	s7 =	rddreg [dreg:$0x1]  }
0x3: {  	s0 =	srdreg.scid;
	s3 =	rddreg [dreg:$0x2]  }
0x4: {  	s2 =	rddreg [dreg:$0x3];
	s4 =	simm.s32 $0x0;
	s14 =	simm.s32 $0x2900  }
0x5: {  	s15 =	simm.s32 $0x2;
	s16 =	simm.s32 $0x40;
	s17 =	simm.s32 $0x4900  }
0x6: {  	s18 =	simm.s32 $0x80;
	s19 =	simm.s32 $0x50;
	s6 =	sand.u32 $0x1, s0  }
0x7: {  	s20 =	simm.s32 $0x100;
	s0 =	stileid.u32;
	s5 =	smul.u32 $0x27100, s6  }
0x8: {  	s21 =	simm.s32 $0x1;
	[smem:$0x7FF] =	sst s4;
	s8 =	smul.u32 $0x2710, s0  }
0x9: {  	s22 =	simm.s32 $0x0;
	_ =	strace $0x80000047;
	s9 =	smul.u32 $0x28000, s6  }
0xa: {  	s30 =	ssub.s32 $0x2, s6;
	s6 =	sadd.s32 $0x15000, s7;
	s31 =	smul.u32 $0x2800, s0  }
0xb: {  	s11 =	sshrl.u32 s30, $0x1;
	s5 =	sadd.s32 s8, s5;
	s12 =	sadd.s32 s9, s7  }
0xc: {  	s8 =	ssub.s32 s30, s11;
	s5 =	sshrl.u32 s5, $0x3;
	s13 =	sadd.s32 s31, s12  }
0xd: {  	s10 =	sadd.s32 s5, s7;
	s5 =	sadd.s32 $0x14C00, s7;
	s7 =	smul.u32 $0x280, s0  }
0xe: {  	s8 =	smax.u32 s8, $0x1;
	s12 =	sadd.s32 $0x15600, s13;
	s13 =	sadd.s32 $0x65600, s13  }
0xf: {  	v0 =	vlaneseq.u32;
	s9 =	sadd.s32 $0x1000, s10;
	s10 =	sadd.s32 $0xAE00, s10;
	s11 =	sor.u32 $0x30, s7  }
.LBB2_1:
0x10: {  	[tilespmem:s14], [sflag:$0x2] =	stream.linear.gather [hbm4b:s5+s4], $0x2000, $0x38;
	[tilespmem:$0x18980] =	vst v63  }
0x11: {  	_ =	swait.ge [sflag:s15], $0x2000  }
0x12: {  	s23 =	sadd.s32 $0x0, s7;
	[sflag:s15] =	ssyncset.done $0x0  }
0x13: {  	v1 =	vor.u32 s23, v0;
	s24 =	sadd.s32 $0x30, s23;
	[sflag:s15] =	ssyncadd.s32 $0xFFFFE000  }
0x14: {  	s25 =	sadd.s32 $0x20, s23;
	v2 =	vor.u32 s24, v0;
	[tilespmem:$0x4900] =	vst v1  }
0x15: {  	s24 =	sadd.s32 $0x10, s23;
	s23 =	simm.s32 $0x40;
	v1 =	vor.u32 s25, v0;
	[tilespmem:$0x4930] =	vst v2  }
.LBB2_2:
0x16: {  	p0 =	sne.s32 s23, $0x240;
	v2 =	vor.u32 s24, v0;
	[tilespmem:$0x4920] =	vst v1  }
0x17: {  	[tilespmem:$0x4910] =	vst v2;
	[spmem:s3] =	stream.indirect.scatter [tilespmem:s14], [sflag:$0x2], $0x80, s17, s16, $0xb8  }
.Ltmp0:
0x18: {  	_ =	swait.ge [sflag:s15], $0x2000;
	(pc) =	sbr.rel @p0 .LBB2_2-.Ltmp0, $4  }
0x19: {  	s24 =	sadd.s32 s23, s7;
	[sflag:s15] =	ssyncset.done $0x0  }
0x1a: {  	v1 =	vor.u32 s24, v0;
	s25 =	sadd.s32 $0x30, s24;
	[sflag:s15] =	ssyncadd.s32 $0xFFFFE000  }
0x1b: {  	s26 =	sadd.s32 $0x20, s24;
	v2 =	vor.u32 s25, v0;
	[tilespmem:$0x4900] =	vst v1  }
0x1c: {  	s23 =	sadd.s32 $0x40, s23;
	s24 =	sadd.s32 $0x10, s24;
	v1 =	vor.u32 s26, v0;
	[tilespmem:$0x4930] =	vst v2  }
0x1d: {  	v2 =	vor.u32 s24, v0;
	[tilespmem:$0x4920] =	vst v1  }
0x1e: {  	[tilespmem:$0x4910] =	vst v2  }
0x1f: {  	[spmem:s3] =	stream.indirect.scatter [tilespmem:s14], [sflag:$0x2], $0x80, s17, s16, $0xb8;
	[tilespmem:$0x18980] =	vst v63  }
0x20: {  	_ =	swait.ge [sflag:s15], $0x2000  }
0x21: {  	[sflag:s15] =	ssyncset.done $0x0  }
0x22: {  	[sflag:s15] =	ssyncadd.s32 $0xFFFFE000  }
0x23: {  	s23 =	sadd.s32 $0x0, s10;
	[bflag:$0x0] =	sbarrier.arrive $0xFFFF  }
0x24: {  	[tilespmem:s4], [sflag:$0x2] =	stream.linear.gather [hbm4b:s23+s4], $0x50, $0x38;
	[tilespmem:$0x18980] =	vst v63  }
0x25: {  	_ =	swait.ge [sflag:s15], $0x50  }
0x26: {  	[sflag:s15] =	ssyncset.done $0x0  }
0x27: {  	s31 =	sadd.s32 $0x0, s9;
	[sflag:s15] =	ssyncadd.s32 $0xFFFFFFB0  }
0x28: {  	[tilespmem:s18], [sflag:$0x2] =	stream.linear.gather [hbm4b:s31+s4], $0x50, $0x38;
	[tilespmem:$0x18980] =	vst v63  }
0x29: {  	_ =	swait.ge [sflag:s15], $0x50  }
0x2a: {  	[sflag:s15] =	ssyncset.done $0x0  }
0x2b: {  	[sflag:s15] =	ssyncadd.s32 $0xFFFFFFB0  }
0x2c: {  	[tilespmem:s20], [sflag:$0x1] =	stream.indirect.gather [hbm4b:s1+s19], $0x80, s4, s19, $0xb8;
	[tilespmem:$0x18980] =	vst v63  }
0x2d: {  	_ =	swait.ge [sflag:s21], $0x2800  }
0x2e: {  	[sflag:s21] =	ssyncset.done $0x0  }
0x2f: {  	[sflag:s21] =	ssyncadd.s32 $0xFFFFD800  }
0x30: {  	[spmem:s3] =	stream.indirect.scatter.add.f32 [tilespmem:s20], [sflag:$0x2], $0x80, s18, s19, $0xb8;
	[tilespmem:$0x18980] =	vst v63  }
0x31: {  	_ =	swait.ge [sflag:s15], $0x2800  }
0x32: {  	s24 =	simm.s32 $0x14;
	s23 =	simm.s32 $0xA;
	[sflag:s15] =	ssyncset.done $0x0  }
.LBB2_4:
0x33: {  	s25 =	sadd.s32 s23, s10  }
0x34: {  	[sflag:s15] =	ssyncadd.s32 $0xFFFFD800;
	s26 =	smov.u32 s24;
	s28 =	sadd.s32 $0xA, s24  }
0x35: {  	[tilespmem:s4], [sflag:$0x2] =	stream.linear.gather [hbm4b:s25+s4], $0x50, $0x38;
	[tilespmem:$0x18980] =	vst v63  }
0x36: {  	p0 =	sne.s32 s24, $0x4D8;
	_ =	swait.ge [sflag:s15], $0x50  }
0x37: {  	[sflag:s15] =	ssyncset.done $0x0  }
0x38: {  	s24 =	sadd.s32 s23, s9;
	s23 =	smov.u32 s26;
	[sflag:s15] =	ssyncadd.s32 $0xFFFFFFB0  }
0x39: {  	[tilespmem:s18], [sflag:$0x2] =	stream.linear.gather [hbm4b:s24+s4], $0x50, $0x38;
	[tilespmem:$0x18980] =	vst v63  }
0x3a: {  	_ =	swait.ge [sflag:s15], $0x50  }
0x3b: {  	[sflag:s15] =	ssyncset.done $0x0  }
0x3c: {  	[sflag:s15] =	ssyncadd.s32 $0xFFFFFFB0  }
0x3d: {  	[tilespmem:s20], [sflag:$0x1] =	stream.indirect.gather [hbm4b:s1+s19], $0x80, s4, s19, $0xb8;
	[tilespmem:$0x18980] =	vst v63  }
0x3e: {  	_ =	swait.ge [sflag:s21], $0x2800  }
.Ltmp1:
0x3f: {  	[sflag:s21] =	ssyncset.done $0x0;
	(pc) =	sbr.rel @p0 .LBB2_4-.Ltmp1, $4  }
0x40: {  	[sflag:s21] =	ssyncadd.s32 $0xFFFFD800  }
0x41: {  	[spmem:s3] =	stream.indirect.scatter.add.f32 [tilespmem:s20], [sflag:$0x2], $0x80, s18, s19, $0xb8;
	[tilespmem:$0x18980] =	vst v63  }
0x42: {  	_ =	swait.ge [sflag:s15], $0x2800  }
0x43: {  	s24 =	smov.u32 s28;
	[sflag:s15] =	ssyncset.done $0x0  }
0x44: {  	s24 =	sadd.s32 s23, s10;
	[sflag:s15] =	ssyncadd.s32 $0xFFFFD800  }
0x45: {  	[tilespmem:s4], [sflag:$0x2] =	stream.linear.gather [hbm4b:s24+s4], $0x50, $0x38;
	[tilespmem:$0x18980] =	vst v63  }
0x46: {  	_ =	swait.ge [sflag:s15], $0x50  }
0x47: {  	[sflag:s15] =	ssyncset.done $0x0  }
0x48: {  	s26 =	sadd.s32 s23, s9;
	[sflag:s15] =	ssyncadd.s32 $0xFFFFFFB0  }
0x49: {  	[tilespmem:s18], [sflag:$0x2] =	stream.linear.gather [hbm4b:s26+s4], $0x50, $0x38;
	[tilespmem:$0x18980] =	vst v63  }
0x4a: {  	_ =	swait.ge [sflag:s15], $0x50  }
0x4b: {  	[sflag:s15] =	ssyncset.done $0x0  }
0x4c: {  	[sflag:s15] =	ssyncadd.s32 $0xFFFFFFB0  }
0x4d: {  	[tilespmem:s20], [sflag:$0x1] =	stream.indirect.gather [hbm4b:s1+s19], $0x80, s4, s19, $0xb8;
	[tilespmem:$0x18980] =	vst v63  }
0x4e: {  	_ =	swait.ge [sflag:s21], $0x2800  }
0x4f: {  	[sflag:s21] =	ssyncset.done $0x0  }
0x50: {  	[sflag:s21] =	ssyncadd.s32 $0xFFFFD800  }
0x51: {  	[spmem:s3] =	stream.indirect.scatter.add.f32 [tilespmem:s20], [sflag:$0x2], $0x80, s18, s19, $0xb8;
	[tilespmem:$0x18980] =	vst v63  }
0x52: {  	_ =	swait.ge [sflag:s15], $0x2800  }
0x53: {  	[sflag:s15] =	ssyncset.done $0x0  }
0x54: {  	[sflag:s15] =	ssyncadd.s32 $0xFFFFD800  }
0x55: {  	s28 =	sadd.s32 $0xFFFFFFF0, s11;
	v1 =	vor.u32 s11, v0;
	[bflag:$0x0] =	sbarrier.arrive $0xFFFF  }
0x56: {  	s29 =	sadd.s32 $0xFFFFFFE0, s11;
	v2 =	vor.u32 s28, v0;
	[tilespmem:$0x4930] =	vst v1  }
0x57: {  	s30 =	sadd.s32 $0xFFFFFFD0, s11;
	v3 =	vor.u32 s29, v0;
	[tilespmem:$0x4920] =	vst v2  }
0x58: {  	v4 =	vor.u32 s30, v0;
	[tilespmem:$0x4910] =	vst v3  }
0x59: {  	[tilespmem:$0x4900] =	vst v4  }
0x5a: {  	[tilespmem:s14], [sflag:$0x2] =	stream.indirect.gather [spmem:s3], $0x80, s17, s16, $0xb8;
	[tilespmem:$0x18980] =	vst v63  }
0x5b: {  	_ =	swait.ge [sflag:s15], $0x2000  }
0x5c: {  	s31 =	sadd.s32 $0x0, s12;
	[sflag:s15] =	ssyncset.done $0x0  }
0x5d: {  	s23 =	simm.s32 $0x400;
	s24 =	smov.u32 s11;
	[sflag:s15] =	ssyncadd.s32 $0xFFFFE000  }
0x5e: {  	[hbm4b:s31+s4] =	stream.linear.scatter [tilespmem:s14], [sflag:$0x2], $0x2000, $0x38;
	[tilespmem:$0x18980] =	vst v63  }
.LBB2_6:
0x5f: {  	p0 =	sne.s32 s23, $0x2400  }
0x60: {  	_ =	swait.ge [sflag:s15], $0x2000;
	s24 =	sadd.s32 $0x40, s24;
	s25 =	smov.u32 s23  }
0x61: {  	s23 =	sadd.s32 $0x400, s23;
	s26 =	sadd.s32 $0xFFFFFFD0, s24;
	[sflag:s15] =	ssyncset.done $0x0  }
0x62: {  	s28 =	sadd.s32 $0xFFFFFFE0, s24;
	s29 =	sadd.s32 $0xFFFFFFF0, s24;
	v5 =	vor.u32 s24, v0;
	[sflag:s15] =	ssyncadd.s32 $0xFFFFE000  }
0x63: {  	v6 =	vor.u32 s26, v0;
	v7 =	vor.u32 s28, v0;
	v8 =	vor.u32 s29, v0;
	[tilespmem:$0x4930] =	vst v5  }
0x64: {  	[tilespmem:$0x4920] =	vst v8  }
0x65: {  	[tilespmem:$0x4910] =	vst v7  }
0x66: {  	[tilespmem:$0x4900] =	vst v6  }
0x67: {  	[tilespmem:s14], [sflag:$0x2] =	stream.indirect.gather [spmem:s3], $0x80, s17, s16, $0xb8;
	[tilespmem:$0x18980] =	vst v63  }
.Ltmp2:
0x68: {  	_ = 	snop;
	(pc) =	sbr.rel @p0 .LBB2_6-.Ltmp2, $4  }
0x69: {  	_ =	swait.ge [sflag:s15], $0x2000  }
0x6a: {  	s25 =	sadd.s32 s25, s12;
	[sflag:s15] =	ssyncset.done $0x0  }
0x6b: {  	[sflag:s15] =	ssyncadd.s32 $0xFFFFE000  }
0x6c: {  	[hbm4b:s25+s4] =	stream.linear.scatter [tilespmem:s14], [sflag:$0x2], $0x2000, $0x38;
	[tilespmem:$0x18980] =	vst v63  }
0x6d: {  	_ =	swait.ge [sflag:s15], $0x2000  }
0x6e: {  	[sflag:s15] =	ssyncset.done $0x0  }
0x6f: {  	[sflag:s15] =	ssyncadd.s32 $0xFFFFE000  }
0x70: {  	s23 =	simm.s32 $0x0;
	[bflag:$0x0] =	sbarrier.arrive $0xFFFF  }
0x71: {  	[tilespmem:s14], [sflag:$0x2] =	stream.linear.gather [hbm4b:s5+s23], $0x2000, $0x38;
	[tilespmem:$0x18980] =	vst v63  }
0x72: {  	_ =	swait.ge [sflag:s15], $0x2000  }
0x73: {  	s31 =	sadd.s32 $0x0, s7;
	[sflag:s15] =	ssyncset.done $0x0  }
0x74: {  	v5 =	vor.u32 s31, v0;
	s24 =	sadd.s32 $0x30, s31;
	[sflag:s15] =	ssyncadd.s32 $0xFFFFE000  }
0x75: {  	s25 =	sadd.s32 $0x20, s31;
	v6 =	vor.u32 s24, v0;
	[tilespmem:$0x4900] =	vst v5  }
0x76: {  	s24 =	sadd.s32 $0x10, s31;
	s23 =	simm.s32 $0x40;
	v5 =	vor.u32 s25, v0;
	[tilespmem:$0x4930] =	vst v6  }
.LBB2_8:
0x77: {  	p0 =	sne.s32 s23, $0x240;
	v6 =	vor.u32 s24, v0;
	[tilespmem:$0x4920] =	vst v5  }
0x78: {  	[tilespmem:$0x4910] =	vst v6;
	[spmem:s3] =	stream.indirect.scatter [tilespmem:s14], [sflag:$0x2], $0x80, s17, s16, $0xb8  }
.Ltmp3:
0x79: {  	_ =	swait.ge [sflag:s15], $0x2000;
	(pc) =	sbr.rel @p0 .LBB2_8-.Ltmp3, $4  }
0x7a: {  	s24 =	sadd.s32 s23, s7;
	[sflag:s15] =	ssyncset.done $0x0  }
0x7b: {  	v5 =	vor.u32 s24, v0;
	s25 =	sadd.s32 $0x30, s24;
	[sflag:s15] =	ssyncadd.s32 $0xFFFFE000  }
0x7c: {  	s26 =	sadd.s32 $0x20, s24;
	v6 =	vor.u32 s25, v0;
	[tilespmem:$0x4900] =	vst v5  }
0x7d: {  	s23 =	sadd.s32 $0x40, s23;
	s24 =	sadd.s32 $0x10, s24;
	v5 =	vor.u32 s26, v0;
	[tilespmem:$0x4930] =	vst v6  }
0x7e: {  	v6 =	vor.u32 s24, v0;
	[tilespmem:$0x4920] =	vst v5  }
0x7f: {  	[tilespmem:$0x4910] =	vst v6  }
0x80: {  	[spmem:s3] =	stream.indirect.scatter [tilespmem:s14], [sflag:$0x2], $0x80, s17, s16, $0xb8;
	[tilespmem:$0x18980] =	vst v63  }
0x81: {  	_ =	swait.ge [sflag:s15], $0x2000  }
0x82: {  	[sflag:s15] =	ssyncset.done $0x0  }
0x83: {  	s23 =	simm.s32 $0x0;
	[sflag:s15] =	ssyncadd.s32 $0xFFFFE000  }
0x84: {  	[tilespmem:s20], [sflag:$0x2] =	stream.linear.gather [hbm4b:s6+s23], $0x2800, $0x38;
	[tilespmem:$0x18980] =	vst v63  }
0x85: {  	_ =	swait.ge [sflag:s15], $0x2800  }
0x86: {  	[sflag:s15] =	ssyncset.done $0x0  }
0x87: {  	[sflag:s15] =	ssyncadd.s32 $0xFFFFD800  }
0x88: {  	s31 =	sadd.s32 $0x0, s9;
	[bflag:$0x0] =	sbarrier.arrive $0xFFFF  }
0x89: {  	[tilespmem:s18], [sflag:$0x2] =	stream.linear.gather [hbm4b:s31+s4], $0x50, $0x38;
	[tilespmem:$0x18980] =	vst v63  }
0x8a: {  	_ =	swait.ge [sflag:s15], $0x50  }
0x8b: {  	[sflag:s15] =	ssyncset.done $0x0  }
0x8c: {  	[sflag:s15] =	ssyncadd.s32 $0xFFFFFFB0  }
0x8d: {  	[spmem:s3] =	stream.indirect.scatter.add.f32 [tilespmem:s20], [sflag:$0x2], $0x80, s18, s19, $0xb8;
	[tilespmem:$0x18980] =	vst v63  }
0x8e: {  	_ =	swait.ge [sflag:s15], $0x2800  }
0x8f: {  	s24 =	simm.s32 $0x14;
	s23 =	simm.s32 $0xA;
	[sflag:s15] =	ssyncset.done $0x0  }
.LBB2_10:
0x90: {  	s25 =	sadd.s32 s23, s9  }
0x91: {  	[sflag:s15] =	ssyncadd.s32 $0xFFFFD800;
	s23 =	smov.u32 s24;
	s26 =	sadd.s32 $0xA, s24  }
0x92: {  	[tilespmem:s18], [sflag:$0x2] =	stream.linear.gather [hbm4b:s25+s4], $0x50, $0x38;
	[tilespmem:$0x18980] =	vst v63  }
0x93: {  	p0 =	sne.s32 s24, $0x4D8;
	_ =	swait.ge [sflag:s15], $0x50  }
.Ltmp4:
0x94: {  	[sflag:s15] =	ssyncset.done $0x0;
	(pc) =	sbr.rel @p0 .LBB2_10-.Ltmp4, $4  }
0x95: {  	[sflag:s15] =	ssyncadd.s32 $0xFFFFFFB0  }
0x96: {  	[spmem:s3] =	stream.indirect.scatter.add.f32 [tilespmem:s20], [sflag:$0x2], $0x80, s18, s19, $0xb8;
	[tilespmem:$0x18980] =	vst v63  }
0x97: {  	_ =	swait.ge [sflag:s15], $0x2800  }
0x98: {  	s24 =	smov.u32 s26;
	[sflag:s15] =	ssyncset.done $0x0  }
0x99: {  	s23 =	sadd.s32 s23, s9;
	[sflag:s15] =	ssyncadd.s32 $0xFFFFD800  }
0x9a: {  	[tilespmem:s18], [sflag:$0x2] =	stream.linear.gather [hbm4b:s23+s4], $0x50, $0x38;
	[tilespmem:$0x18980] =	vst v63  }
0x9b: {  	_ =	swait.ge [sflag:s15], $0x50  }
0x9c: {  	[sflag:s15] =	ssyncset.done $0x0  }
0x9d: {  	[sflag:s15] =	ssyncadd.s32 $0xFFFFFFB0  }
0x9e: {  	[spmem:s3] =	stream.indirect.scatter.add.f32 [tilespmem:s20], [sflag:$0x2], $0x80, s18, s19, $0xb8;
	[tilespmem:$0x18980] =	vst v63  }
0x9f: {  	_ =	swait.ge [sflag:s15], $0x2800  }
0xa0: {  	[sflag:s15] =	ssyncset.done $0x0  }
0xa1: {  	[sflag:s15] =	ssyncadd.s32 $0xFFFFD800  }
0xa2: {  	[bflag:$0x0] =	sbarrier.arrive $0xFFFF  }
0xa3: {  	[tilespmem:$0x4930] =	vst v1  }
0xa4: {  	[tilespmem:$0x4920] =	vst v2  }
0xa5: {  	[tilespmem:$0x4910] =	vst v3  }
0xa6: {  	[tilespmem:$0x4900] =	vst v4  }
0xa7: {  	[tilespmem:s14], [sflag:$0x2] =	stream.indirect.gather [spmem:s3], $0x80, s17, s16, $0xb8;
	[tilespmem:$0x18980] =	vst v63  }
0xa8: {  	_ =	swait.ge [sflag:s15], $0x2000  }
0xa9: {  	s31 =	sadd.s32 $0x0, s13;
	[sflag:s15] =	ssyncset.done $0x0  }
0xaa: {  	s24 =	smov.u32 s11;
	s23 =	simm.s32 $0x400;
	[sflag:s15] =	ssyncadd.s32 $0xFFFFE000  }
0xab: {  	[hbm4b:s31+s4] =	stream.linear.scatter [tilespmem:s14], [sflag:$0x2], $0x2000, $0x38;
	[tilespmem:$0x18980] =	vst v63  }
.LBB2_12:
0xac: {  	p0 =	sne.s32 s23, $0x2400  }
0xad: {  	_ =	swait.ge [sflag:s15], $0x2000;
	s24 =	sadd.s32 $0x40, s24;
	s25 =	smov.u32 s23  }
0xae: {  	s23 =	sadd.s32 $0x400, s23;
	s26 =	sadd.s32 $0xFFFFFFD0, s24;
	[sflag:s15] =	ssyncset.done $0x0  }
0xaf: {  	s28 =	sadd.s32 $0xFFFFFFE0, s24;
	s29 =	sadd.s32 $0xFFFFFFF0, s24;
	v1 =	vor.u32 s24, v0;
	[sflag:s15] =	ssyncadd.s32 $0xFFFFE000  }
0xb0: {  	v2 =	vor.u32 s26, v0;
	v3 =	vor.u32 s28, v0;
	v4 =	vor.u32 s29, v0;
	[tilespmem:$0x4930] =	vst v1  }
0xb1: {  	[tilespmem:$0x4920] =	vst v4  }
0xb2: {  	[tilespmem:$0x4910] =	vst v3  }
0xb3: {  	[tilespmem:$0x4900] =	vst v2  }
0xb4: {  	[tilespmem:s14], [sflag:$0x2] =	stream.indirect.gather [spmem:s3], $0x80, s17, s16, $0xb8;
	[tilespmem:$0x18980] =	vst v63  }
.Ltmp5:
0xb5: {  	_ = 	snop;
	(pc) =	sbr.rel @p0 .LBB2_12-.Ltmp5, $4  }
0xb6: {  	_ =	swait.ge [sflag:s15], $0x2000  }
0xb7: {  	s25 =	sadd.s32 s25, s13;
	[sflag:s15] =	ssyncset.done $0x0  }
0xb8: {  	[sflag:s15] =	ssyncadd.s32 $0xFFFFE000  }
0xb9: {  	[hbm4b:s25+s4] =	stream.linear.scatter [tilespmem:s14], [sflag:$0x2], $0x2000, $0x38;
	[tilespmem:$0x18980] =	vst v63  }
0xba: {  	s22 =	sadd.s32 $0x1, s22  }
0xbb: {  	p0 =	sne.s32 s22, s8  }
.Ltmp6:
0xbc: {  	_ = 	snop;
	(pc) =	sbr.rel @p0 .LBB2_1-.Ltmp6, $4  }
0xbd: {  	_ = 	snop  }
0xbe: {  	_ =	swait.ge [sflag:s15], $0x2000  }
0xbf: {  	[sflag:s15] =	ssyncset.done $0x0  }
0xc0: {  	[sflag:s15] =	ssyncadd.s32 $0xFFFFE000  }
0xc1: {  	_ =	sfence.sel $0x180000  }
0xc2: {  	[bflag:$0x0] =	sbarrier.arrive $0xFFFF  }
0xc3: {  	p0 =	sne.s32 s0, $0x0;
	_ =	strace $0x90000047  }
0xc4: {  	s0 =	sadd.s32 @!p0 $0x100000, s2;
	[bflag:$0x2] =	sbarrier.arrive $0xFFFF  }
0xc5: {  	[sflag:s0] =	ssyncadd.tile.s32 @!p0 $0x1;
	_ =	shalt  }
.Lfunc_end2:
_tile_overlayer_lowered:
.L_overlay_start_2:
0xc6: {  	(tag) =	ssettag $0x2  }
0xc7: {  	s0 =	rddreg [dreg:$0x0];
	s2 =	stileid.u32  }
0xc8: {  	s1 =	rddreg [dreg:$0x1];
	p0 =	sne.s32 s2, $0x0  }
0xc9: {  	s3 =	rddreg [dreg:$0x2];
	[bflag:$0x3] =	sbarrier.arrive $0xFFFF;
	s2 =	simm.s32 @!p0 $0x1C02  }
0xca: {  	[timem:s3], [sflag:s2] =	dma.local @!p0 [hbm:s0], s1  }
0xcb: {  	s0 =	simm.s32 @!p0 $0x2  }
0xcc: {  	_ =	swait.ge @!p0 [sflag:s0], s1  }
0xcd: {  	s1 =	ssub.s32 @!p0 $0x0, s1;
	[sflag:s0] =	ssyncset.done @!p0 $0x0  }
0xce: {  	[sflag:s0] =	ssyncadd.s32 @!p0 s1  }
0xcf: {  	[bflag:$0x3] =	sbarrier.arrive $0xFFFF  }
0xd0: {  	_ =	shalt  }

</sc_bundles>
